<compile_context>
chip_gen: v7x
topology: tpu7x:2x2x1
jax: 0.10.2.dev20260603
libtpu: 0.0.44.dev20260713+nightly
codegen_flags: <defaults>
</compile_context>

<pallas_src>
import functools
import math

import jax
import jax.numpy as jnp
import numpy as np
from jax import lax
from jax.experimental import pallas as pl
from jax.experimental.pallas import tpu as pltpu

T, D, H, E, TOPK, FF = 2048, 1024, 16, 8, 2, 4096
DH = D // H
HALF = DH // 2
BQ = 256
BT = 256
BE = 256
FCH = 512
NF = FF // FCH
NBLK = 24
NS = NBLK * BE


def _qkv_body(x_ref, w_ref, wk_ref, b_ref, bk_ref, s_ref, o_ref, kt_ref):
    x = x_ref[...]
    norm = jnp.sqrt(jnp.mean(x * x, axis=-1, keepdims=True))
    hx = x / (norm + 1e-5) * s_ref[...]
    o_ref[...] = jnp.dot(hx, w_ref[...], preferred_element_type=jnp.float32) + b_ref[...]
    kt_ref[...] = lax.dot_general(wk_ref[...], hx, (((1,), (1,)), ((), ())),
                                  preferred_element_type=jnp.float32) + bk_ref[...]


def _qkv(x, qkv_wT, qkv_w_k, qkv_b, norm1_scale):
    return pl.pallas_call(
        _qkv_body,
        grid=(T // BT,),
        in_specs=[
            pl.BlockSpec((BT, D), lambda i: (i, 0)),
            pl.BlockSpec((D, 3 * D), lambda i: (0, 0)),
            pl.BlockSpec((D, D), lambda i: (0, 0)),
            pl.BlockSpec((1, 3 * D), lambda i: (0, 0)),
            pl.BlockSpec((D, 1), lambda i: (0, 0)),
            pl.BlockSpec((1, D), lambda i: (0, 0)),
        ],
        out_specs=[
            pl.BlockSpec((BT, 3 * D), lambda i: (i, 0)),
            pl.BlockSpec((D, BT), lambda i: (0, i)),
        ],
        out_shape=[
            jax.ShapeDtypeStruct((T, 3 * D), jnp.float32),
            jax.ShapeDtypeStruct((D, T), jnp.float32),
        ],
    )(x, qkv_wT, qkv_w_k, qkv_b.reshape(1, -1),
      qkv_b[D:2 * D].reshape(D, 1), norm1_scale.reshape(1, -1))


def _rope_block(x, sin, cos):
    x1, x2 = x[:, :HALF], x[:, HALF:]
    return jnp.concatenate([x1 * cos - x2 * sin, x1 * sin + x2 * cos], axis=1)


def _attn_body(q_ref, kt_ref, v_ref, sin_ref, cos_ref, sint_ref, cost_ref,
               o_ref, kr_ref):
    tq = pl.program_id(1)

    @pl.when(tq == 0)
    def _():
        for hh in (0, 1):
            x1 = kt_ref[pl.ds(hh * DH, HALF), :]
            x2 = kt_ref[pl.ds(hh * DH + HALF, HALF), :]
            sT, cT = sint_ref[...], cost_ref[...]
            kr_ref[pl.ds(hh * DH, HALF), :] = x1 * cT - x2 * sT
            kr_ref[pl.ds(hh * DH + HALF, HALF), :] = x1 * sT + x2 * cT

    sin_q = sin_ref[pl.ds(tq * BQ, BQ), :]
    cos_q = cos_ref[pl.ds(tq * BQ, BQ), :]
    rows = tq * BQ + lax.broadcasted_iota(jnp.int32, (BQ, BQ), 0)

    for hh in (0, 1):
        sl = pl.ds(hh * DH, DH)
        q = _rope_block(q_ref[:, sl], sin_q, cos_q) * (1.0 / math.sqrt(DH))

        def body(j, carry, sl=sl, q=q):
            m, l, acc = carry
            kb = kr_ref[sl, pl.ds(j * BQ, BQ)]
            vb = v_ref[pl.ds(j * BQ, BQ), sl]
            s = lax.dot_general(q, kb, (((1,), (0,)), ((), ())),
                                preferred_element_type=jnp.float32)
            cols = j * BQ + lax.broadcasted_iota(jnp.int32, (BQ, BQ), 1)
            s = jnp.where(rows >= cols, s, -1e30)
            m_new = jnp.maximum(m, jnp.max(s, axis=1, keepdims=True))
            p = jnp.exp(s - m_new)
            alpha = jnp.exp(m - m_new)
            l = l * alpha + jnp.sum(p, axis=1, keepdims=True)
            acc = acc * alpha + jnp.dot(p, vb, preferred_element_type=jnp.float32)
            return m_new, l, acc

        m0 = jnp.full((BQ, 1), -1e30, jnp.float32)
        l0 = jnp.zeros((BQ, 1), jnp.float32)
        a0 = jnp.zeros((BQ, DH), jnp.float32)
        m, l, acc = lax.fori_loop(0, tq + 1, body, (m0, l0, a0))
        o_ref[:, sl] = acc / l


def _attention(qkv, kT, sin_t, cos_t, sinT, cosT):
    return pl.pallas_call(
        _attn_body,
        grid=(H // 2, T // BQ),
        in_specs=[
            pl.BlockSpec((BQ, 2 * DH), lambda h, tq: (tq, h)),
            pl.BlockSpec((2 * DH, T), lambda h, tq: (h, 0)),
            pl.BlockSpec((T, 2 * DH), lambda h, tq: (0, H + h)),
            pl.BlockSpec((T, HALF), lambda h, tq: (0, 0)),
            pl.BlockSpec((T, HALF), lambda h, tq: (0, 0)),
            pl.BlockSpec((HALF, T), lambda h, tq: (0, 0)),
            pl.BlockSpec((HALF, T), lambda h, tq: (0, 0)),
        ],
        out_specs=pl.BlockSpec((BQ, 2 * DH), lambda h, tq: (tq, h)),
        out_shape=jax.ShapeDtypeStruct((T, D), jnp.float32),
        scratch_shapes=[
            pltpu.VMEM((2 * DH, T), jnp.float32),
        ],
    )(qkv, kT, qkv, sin_t, cos_t, sinT, cosT)


def _post_body(o_ref, x_ref, w_ref, b_ref, s_ref, gw_ref, gb_ref,
               x2_ref, h2_ref, glT_ref):
    o = o_ref[...]
    x2 = x_ref[...] + jnp.dot(o, w_ref[...], preferred_element_type=jnp.float32) + b_ref[...]
    x2_ref[...] = x2
    norm = jnp.sqrt(jnp.mean(x2 * x2, axis=-1, keepdims=True))
    h2 = x2 / (norm + 1e-5) * s_ref[...]
    h2_ref[...] = h2
    glT_ref[...] = lax.dot_general(gw_ref[...], h2, (((1,), (1,)), ((), ())),
                                   preferred_element_type=jnp.float32) + gb_ref[...]


def _post_attn(o, x, out_wT, out_b, norm2_scale, gate_w_pad, gate_b_pad):
    return pl.pallas_call(
        _post_body,
        grid=(T // BT,),
        in_specs=[
            pl.BlockSpec((BT, D), lambda i: (i, 0)),
            pl.BlockSpec((BT, D), lambda i: (i, 0)),
            pl.BlockSpec((D, D), lambda i: (0, 0)),
            pl.BlockSpec((1, D), lambda i: (0, 0)),
            pl.BlockSpec((1, D), lambda i: (0, 0)),
            pl.BlockSpec((128, D), lambda i: (0, 0)),
            pl.BlockSpec((128, 1), lambda i: (0, 0)),
        ],
        out_specs=[
            pl.BlockSpec((BT, D), lambda i: (i, 0)),
            pl.BlockSpec((BT, D), lambda i: (i, 0)),
            pl.BlockSpec((128, BT), lambda i: (0, i)),
        ],
        out_shape=[
            jax.ShapeDtypeStruct((T, D), jnp.float32),
            jax.ShapeDtypeStruct((T, D), jnp.float32),
            jax.ShapeDtypeStruct((128, T), jnp.float32),
        ],
    )(o, x, out_wT, out_b.reshape(1, -1), norm2_scale.reshape(1, -1),
      gate_w_pad, gate_b_pad)


def _ffn_body(be_ref, xg_ref, w1_ref, w2_ref, wp_ref, b1_ref, b2_ref, bp_ref, y_ref):
    j = pl.program_id(0)
    f = pl.program_id(1)

    @pl.when(j < be_ref[NBLK])
    def _():
        xb = xg_ref[...]
        h1 = lax.dot_general(xb, w1_ref[0], (((1,), (1,)), ((), ())),
                             preferred_element_type=jnp.float32) + b1_ref[0]
        h2 = lax.dot_general(xb, w2_ref[0], (((1,), (1,)), ((), ())),
                             preferred_element_type=jnp.float32) + b2_ref[0]
        g = (h1 * jax.nn.sigmoid(h1) * h2).astype(jnp.bfloat16)
        part = lax.dot_general(g, wp_ref[0], (((1,), (1,)), ((), ())),
                               preferred_element_type=jnp.float32)

        @pl.when(f == 0)
        def _():
            y_ref[...] = part + bp_ref[0]

        @pl.when(f > 0)
        def _():
            y_ref[...] += part


def _ffn(be_arr, xg, w1b, w2b, wpb, b1r, b2r, bpr):
    def _f(j, f, be):
        return f

    def _j(j, f, be):
        return j

    grid_spec = pltpu.PrefetchScalarGridSpec(
        num_scalar_prefetch=1,
        grid=(NBLK, NF),
        in_specs=[
            pl.BlockSpec((BE, D), lambda j, f, be: (_j(j, f, be), 0)),
            pl.BlockSpec((1, FCH, D), lambda j, f, be: (be[j], _f(j, f, be), 0)),
            pl.BlockSpec((1, FCH, D), lambda j, f, be: (be[j], _f(j, f, be), 0)),
            pl.BlockSpec((1, D, FCH), lambda j, f, be: (be[j], 0, _f(j, f, be))),
            pl.BlockSpec((1, 1, FCH), lambda j, f, be: (be[j] * NF + _f(j, f, be), 0, 0)),
            pl.BlockSpec((1, 1, FCH), lambda j, f, be: (be[j] * NF + _f(j, f, be), 0, 0)),
            pl.BlockSpec((1, 1, D), lambda j, f, be: (be[j], 0, 0)),
        ],
        out_specs=pl.BlockSpec((BE, D), lambda j, f, be: (j, 0)),
    )
    return pl.pallas_call(
        _ffn_body,
        grid_spec=grid_spec,
        out_shape=jax.ShapeDtypeStruct((NS, D), jnp.float32),
    )(be_arr, xg, w1b, w2b, wpb, b1r, b2r, bpr)


def _combine_body(x2_ref, y0_ref, y1_ref, p0_ref, p1_ref, c_ref, o_ref, aux_ref):
    o_ref[...] = (x2_ref[...] + p0_ref[...] * y0_ref[...]
                  + p1_ref[...] * y1_ref[...])

    @pl.when(pl.program_id(0) == 0)
    def _():
        c = c_ref[...]
        total = jnp.sum(c)
        dev = c / total - 1.0 / E
        lane = lax.broadcasted_iota(jnp.int32, (1, 16), 1)
        dev = jnp.where(lane < E, dev, 0.0)
        aux_ref[...] = jnp.sum(dev * dev, keepdims=True).reshape(1, 1)


def _combine(x2, y0g, y1g, p0, p1, counts):
    call = pl.pallas_call(
        _combine_body,
        grid=(T // BT,),
        in_specs=[
            pl.BlockSpec((BT, D), lambda i: (i, 0)),
            pl.BlockSpec((BT, D), lambda i: (i, 0)),
            pl.BlockSpec((BT, D), lambda i: (i, 0)),
            pl.BlockSpec((BT, 1), lambda i: (i, 0)),
            pl.BlockSpec((BT, 1), lambda i: (i, 0)),
            pl.BlockSpec((1, 16), lambda i: (0, 0)),
        ],
        out_specs=[
            pl.BlockSpec((BT, D), lambda i: (i, 0)),
            pl.BlockSpec((1, 1), lambda i: (0, 0)),
        ],
        out_shape=[
            jax.ShapeDtypeStruct((T, D), jnp.float32),
            jax.ShapeDtypeStruct((1, 1), jnp.float32),
        ],
    )
    c16 = jnp.zeros((1, 16), jnp.float32).at[0, :E].set(counts[:E])
    return call(x2, y0g, y1g, p0.reshape(T, 1), p1.reshape(T, 1), c16)


def _route_jax(glT):
    gl = glT[:E].T
    topv, topi = lax.top_k(gl, TOPK)
    probs = jax.nn.softmax(topv, axis=-1)
    onehot = jax.nn.one_hot(topi.reshape(-1), E, dtype=jnp.int32)
    counts = onehot.sum(axis=0)
    padded = ((counts + BE - 1) // BE) * BE
    base = jnp.cumsum(padded) - padded
    rank = jnp.cumsum(onehot, axis=0) - onehot
    flat_e = topi.reshape(-1)
    dest = base[flat_e] + jnp.sum(rank * onehot, axis=1)
    tok_ids = jnp.repeat(jnp.arange(T, dtype=jnp.int32), TOPK)
    token_src = jnp.zeros((NS,), jnp.int32).at[dest].set(tok_ids)
    dest2 = dest.reshape(T, TOPK)
    limits = base + padded
    jb = jnp.arange(NBLK, dtype=jnp.int32) * BE
    be_arr = jnp.sum(jb[:, None] >= limits[None, :], axis=1).astype(jnp.int32)
    be_arr = jnp.minimum(be_arr, E - 1)
    nused = jnp.maximum(jnp.sum(padded) // BE, 1).astype(jnp.int32)
    be_arr = jnp.concatenate([be_arr, nused[None]])
    return (token_src, dest2[:, 0], dest2[:, 1], probs[:, 0], probs[:, 1],
            counts.astype(jnp.float32), be_arr)


def kernel(x, norm1_scale, qkv_w, qkv_b, out_w, out_b, norm2_scale,
           gate_w, gate_b, w1, b1, w2, b2, wp, bp):
    b, t, d = x.shape
    xf = x.reshape(T, D)

    freq = np.arange(HALF, dtype=np.float32)
    theta = 1.0 / 10000.0 ** (2.0 * freq / DH)
    pos = np.arange(T, dtype=np.float32)
    ang = jnp.asarray(pos[:, None] * theta[None, :])
    sin_t, cos_t = jnp.sin(ang), jnp.cos(ang)

    qkv_wT = qkv_w.T
    qkv_w_k = qkv_w[D:2 * D]
    out_wT = out_w.T
    gate_w_pad = jnp.zeros((128, D), jnp.float32).at[:E].set(gate_w)
    gate_b_pad = jnp.zeros((128, 1), jnp.float32).at[:E, 0].set(gate_b)
    w1b = w1.astype(jnp.bfloat16)
    w2b = w2.astype(jnp.bfloat16)
    wpb = wp.astype(jnp.bfloat16)
    b1r = b1.reshape(E * NF, 1, FCH)
    b2r = b2.reshape(E * NF, 1, FCH)
    bpr = bp.reshape(E, 1, D)

    qkv, kT = _qkv(xf, qkv_wT, qkv_w_k, qkv_b, norm1_scale)
    o = _attention(qkv, kT, sin_t, cos_t, sin_t.T, cos_t.T)
    x2, h2, glT = _post_attn(o, xf, out_wT, out_b, norm2_scale,
                             gate_w_pad, gate_b_pad)

    token_src, dest0, dest1, p0, p1, counts, be_arr = _route_jax(glT)

    xg = h2[token_src].astype(jnp.bfloat16)
    y = _ffn(be_arr, xg, w1b, w2b, wpb, b1r, b2r, bpr)
    y0g = y[dest0]
    y1g = y[dest1]

    out, aux = _combine(x2, y0g, y1g, p0, p1, counts)
    return out.reshape(b, t, d), aux.reshape(())

# --- scband reference (transcript-rebuilt; emitter-appended) ---
"""Pipeline reference for scband-transformer-block-64458869178977 (READ-ONLY COPY).

The authoritative reference and input builder live on the scoring server;
editing this copy changes nothing except your own understanding.
"""

import jax, jax.numpy as jnp
import numpy as np

B, T, D, H, E, K, FF = 1, 2048, 1024, 16, 8, 2, 4096

def setup_inputs(seed: int = 0):
    key = jax.random.key(seed)
    ks = jax.random.split(key, 8)
    s = 0.02
    return {
        "x": jax.random.normal(ks[0], (B, T, D), jnp.float32),
        "norm1_scale": jnp.ones((D,), jnp.float32),
        "qkv_w": jax.random.normal(ks[1], (3 * D, D), jnp.float32) * s,
        "qkv_b": jnp.zeros((3 * D,), jnp.float32),
        "out_w": jax.random.normal(ks[2], (D, D), jnp.float32) * s,
        "out_b": jnp.zeros((D,), jnp.float32),
        "norm2_scale": jnp.ones((D,), jnp.float32),
        "gate_w": jax.random.normal(ks[3], (E, D), jnp.float32) * s,
        "gate_b": jnp.zeros((E,), jnp.float32),
        "w1": jax.random.normal(ks[4], (E, FF, D), jnp.float32) * s,
        "b1": jnp.zeros((E, FF), jnp.float32),
        "w2": jax.random.normal(ks[5], (E, FF, D), jnp.float32) * s,
        "b2": jnp.zeros((E, FF), jnp.float32),
        "wp": jax.random.normal(ks[6], (E, D, FF), jnp.float32) * s,
        "bp": jnp.zeros((E, D), jnp.float32),
    }

def _rmsnorm(x, scale, eps=1e-5):
    norm = jnp.linalg.norm(x, axis=-1, keepdims=True) * (1.0 / np.sqrt(x.shape[-1]))
    return x / (norm + eps) * scale

def _rope(x, base=10000.0):
    b, h, t, dh = x.shape
    half = dh // 2
    freq = jnp.arange(half, dtype=x.dtype)
    theta = 1.0 / base ** (2.0 * freq / dh)
    pos = jnp.arange(t, dtype=x.dtype)
    ang = pos[:, None] * theta[None, :]
    sin = jnp.sin(ang)[None, None]
    cos = jnp.cos(ang)[None, None]
    x1, x2 = x[..., :half], x[..., half:]
    return jnp.concatenate([x1 * cos - x2 * sin, x1 * sin + x2 * cos], axis=-1)

def reference(x, norm1_scale, qkv_w, qkv_b, out_w, out_b, norm2_scale, gate_w, gate_b, w1, b1, w2, b2, wp, bp):
    b, t, d = x.shape
    dh = d // H
    # pre-norm attention
    hx = _rmsnorm(x, norm1_scale)
    qkv = (hx @ qkv_w.T + qkv_b).reshape(b, t, 3, H, dh)
    q = jnp.transpose(qkv[:, :, 0], (0, 2, 1, 3))
    k = jnp.transpose(qkv[:, :, 1], (0, 2, 1, 3))
    v = jnp.transpose(qkv[:, :, 2], (0, 2, 1, 3))
    q = _rope(q)
    k = _rope(k)
    scores = jnp.einsum('bhtd,bhsd->bhts', q, k) / np.sqrt(dh)
    causal = jnp.tril(jnp.ones((t, t), dtype=bool))
    scores = jnp.where(causal[None, None], scores, jnp.finfo(scores.dtype).min)
    attn = jax.nn.softmax(scores, axis=-1)
    o = jnp.einsum('bhts,bhsd->bhtd', attn, v)
    o = jnp.transpose(o, (0, 2, 1, 3)).reshape(b, t, d)
    o = o @ out_w.T + out_b
    x = x + o
    # pre-norm sparse MoE
    h2 = _rmsnorm(x, norm2_scale)
    xf = h2.reshape(-1, d)
    gl = xf @ gate_w.T + gate_b
    topk_scores, topk_idx = jax.lax.top_k(gl, K)
    gate_probs = jax.nn.softmax(topk_scores, axis=-1)
    onehot = jax.nn.one_hot(topk_idx, E, dtype=xf.dtype)  # [N, K, E]
    expert_counts = onehot.sum(axis=(0, 1))
    weights = jnp.einsum('nk,nke->ne', gate_probs, onehot)  # [N, E]
    moe_out = jnp.zeros_like(xf)
    for e in range(E):
        h1e = xf @ w1[e].T + b1[e]
        h2e = xf @ w2[e].T + b2[e]
        out_e = (jax.nn.silu(h1e) * h2e) @ wp[e].T + bp[e]
        moe_out = moe_out + weights[:, e:e + 1] * out_e
    aux_loss = jnp.sum((expert_counts / expert_counts.sum() - 1.0 / E) ** 2)
    x = x + moe_out.reshape(b, t, d)
    return x, aux_loss

if __name__ == "__main__":
    import jax
    _d = setup_inputs()
    print(jax.jit(kernel)(*tuple(_d.values())))

</pallas_src>

<mosaic_0001>
module attributes {stable_mosaic.version = 14 : i64} {
  func.func @_attn_body(%arg0: i32, %arg1: i32, %arg2: memref<256x128xf32, #tpu.memory_space<vmem>>, %arg3: memref<128x2048xf32, #tpu.memory_space<vmem>>, %arg4: memref<2048x128xf32, #tpu.memory_space<vmem>>, %arg5: memref<2048x32xf32, #tpu.memory_space<vmem>>, %arg6: memref<2048x32xf32, #tpu.memory_space<vmem>>, %arg7: memref<32x2048xf32, #tpu.memory_space<vmem>>, %arg8: memref<32x2048xf32, #tpu.memory_space<vmem>>, %arg9: memref<256x128xf32, #tpu.memory_space<vmem>>, %arg10: memref<128x2048xf32, #tpu.memory_space<vmem>>) attributes {dimension_semantics = [#tpu.dimension_semantics<arbitrary>, #tpu.dimension_semantics<arbitrary>], iteration_bounds = array<i64: 8, 8>, scalar_prefetch = 0 : i64, scratch_operands = 1 : i64, tpu.core_type = #tpu.core_type<tc>, window_params = [{transform_indices = @transform_0, window_bounds = array<i64: 256, 128>}, {transform_indices = @transform_1, window_bounds = array<i64: 128, 2048>}, {transform_indices = @transform_2, window_bounds = array<i64: 2048, 128>}, {pipeline_mode = #tpu.pipeline_mode<synchronous>, transform_indices = @transform_3, window_bounds = array<i64: 2048, 32>}, {pipeline_mode = #tpu.pipeline_mode<synchronous>, transform_indices = @transform_4, window_bounds = array<i64: 2048, 32>}, {pipeline_mode = #tpu.pipeline_mode<synchronous>, transform_indices = @transform_5, window_bounds = array<i64: 32, 2048>}, {pipeline_mode = #tpu.pipeline_mode<synchronous>, transform_indices = @transform_6, window_bounds = array<i64: 32, 2048>}, {transform_indices = @transform_7, window_bounds = array<i64: 256, 128>}]} {
    %eq3A = arith.constant 0 : i32
    %eq3A_0 = arith.cmpi eq, %arg1, %eq3A : i32
    %convert_element_type3A = arith.extui %eq3A_0 : i1 to i32
    %cond3A = arith.constant 0 : i32
    %cond3A_1 = arith.cmpi ne, %convert_element_type3A, %cond3A : i32
    scf.if %cond3A_1 {
      %get3A_84 = arith.constant 0 : index
      %get3A_85 = arith.constant 0 : index
      %get3A_86 = vector.load %arg3[%get3A_84, %get3A_85] : memref<128x2048xf32, #tpu.memory_space<vmem>>, vector<32x2048xf32>
      %get3A_87 = arith.constant 32 : index
      %get3A_88 = arith.constant 0 : index
      %get3A_89 = vector.load %arg3[%get3A_87, %get3A_88] : memref<128x2048xf32, #tpu.memory_space<vmem>>, vector<32x2048xf32>
      %get3A_90 = arith.constant 0 : index
      %get3A_91 = arith.constant 0 : index
      %get3A_92 = vector.load %arg7[%get3A_90, %get3A_91] : memref<32x2048xf32, #tpu.memory_space<vmem>>, vector<32x2048xf32>
      %get3A_93 = arith.constant 0 : index
      %get3A_94 = arith.constant 0 : index
      %get3A_95 = vector.load %arg8[%get3A_93, %get3A_94] : memref<32x2048xf32, #tpu.memory_space<vmem>>, vector<32x2048xf32>
      %mul3A_96 = arith.mulf %get3A_86, %get3A_95 : vector<32x2048xf32>
      %mul3A_97 = arith.mulf %get3A_89, %get3A_92 : vector<32x2048xf32>
      %sub3A_98 = arith.subf %mul3A_96, %mul3A_97 : vector<32x2048xf32>
      %swap3A_99 = arith.constant 0 : index
      %swap3A_100 = arith.constant 0 : index
      %swap3A_101 = vector.load %arg10[%swap3A_99, %swap3A_100] : memref<128x2048xf32, #tpu.memory_space<vmem>>, vector<32x2048xf32>
      tpu.vector_store %arg10[%swap3A_99, %swap3A_100], %sub3A_98 {strides = array<i32>} : memref<128x2048xf32, #tpu.memory_space<vmem>>, vector<32x2048xf32>,
      %mul3A_102 = arith.mulf %get3A_86, %get3A_92 : vector<32x2048xf32>
      %mul3A_103 = arith.mulf %get3A_89, %get3A_95 : vector<32x2048xf32>
      %add3A_104 = arith.addf %mul3A_102, %mul3A_103 : vector<32x2048xf32>
      %swap3A_105 = arith.constant 32 : index
      %swap3A_106 = arith.constant 0 : index
      %swap3A_107 = vector.load %arg10[%swap3A_105, %swap3A_106] : memref<128x2048xf32, #tpu.memory_space<vmem>>, vector<32x2048xf32>
      tpu.vector_store %arg10[%swap3A_105, %swap3A_106], %add3A_104 {strides = array<i32>} : memref<128x2048xf32, #tpu.memory_space<vmem>>, vector<32x2048xf32>,
      %get3A_108 = arith.constant 64 : index
      %get3A_109 = arith.constant 0 : index
      %get3A_110 = vector.load %arg3[%get3A_108, %get3A_109] : memref<128x2048xf32, #tpu.memory_space<vmem>>, vector<32x2048xf32>
      %get3A_111 = arith.constant 96 : index
      %get3A_112 = arith.constant 0 : index
      %get3A_113 = vector.load %arg3[%get3A_111, %get3A_112] : memref<128x2048xf32, #tpu.memory_space<vmem>>, vector<32x2048xf32>
      %get3A_114 = arith.constant 0 : index
      %get3A_115 = arith.constant 0 : index
      %get3A_116 = vector.load %arg7[%get3A_114, %get3A_115] : memref<32x2048xf32, #tpu.memory_space<vmem>>, vector<32x2048xf32>
      %get3A_117 = arith.constant 0 : index
      %get3A_118 = arith.constant 0 : index
      %get3A_119 = vector.load %arg8[%get3A_117, %get3A_118] : memref<32x2048xf32, #tpu.memory_space<vmem>>, vector<32x2048xf32>
      %mul3A_120 = arith.mulf %get3A_110, %get3A_119 : vector<32x2048xf32>
      %mul3A_121 = arith.mulf %get3A_113, %get3A_116 : vector<32x2048xf32>
      %sub3A_122 = arith.subf %mul3A_120, %mul3A_121 : vector<32x2048xf32>
      %swap3A_123 = arith.constant 64 : index
      %swap3A_124 = arith.constant 0 : index
      %swap3A_125 = vector.load %arg10[%swap3A_123, %swap3A_124] : memref<128x2048xf32, #tpu.memory_space<vmem>>, vector<32x2048xf32>
      tpu.vector_store %arg10[%swap3A_123, %swap3A_124], %sub3A_122 {strides = array<i32>} : memref<128x2048xf32, #tpu.memory_space<vmem>>, vector<32x2048xf32>,
      %mul3A_126 = arith.mulf %get3A_110, %get3A_116 : vector<32x2048xf32>
      %mul3A_127 = arith.mulf %get3A_113, %get3A_119 : vector<32x2048xf32>
      %add3A_128 = arith.addf %mul3A_126, %mul3A_127 : vector<32x2048xf32>
      %swap3A_129 = arith.constant 96 : index
      %swap3A_130 = arith.constant 0 : index
      %swap3A_131 = vector.load %arg10[%swap3A_129, %swap3A_130] : memref<128x2048xf32, #tpu.memory_space<vmem>>, vector<32x2048xf32>
      tpu.vector_store %arg10[%swap3A_129, %swap3A_130], %add3A_128 {strides = array<i32>} : memref<128x2048xf32, #tpu.memory_space<vmem>>, vector<32x2048xf32>,
    } else {
    }
    %mul3A = arith.constant 256 : i32
    %mul3A_2 = arith.muli %arg1, %mul3A : i32
    %get3A = arith.index_cast %mul3A_2 : i32 to index
    %get3A_3 = arith.constant 0 : index
    %get3A_4 = vector.load %arg5[%get3A, %get3A_3] : memref<2048x32xf32, #tpu.memory_space<vmem>>, vector<256x32xf32>
    %mul3A_5 = arith.constant 256 : i32
    %mul3A_6 = arith.muli %arg1, %mul3A_5 : i32
    %get3A_7 = arith.index_cast %mul3A_6 : i32 to index
    %get3A_8 = arith.constant 0 : index
    %get3A_9 = vector.load %arg6[%get3A_7, %get3A_8] : memref<2048x32xf32, #tpu.memory_space<vmem>>, vector<256x32xf32>
    %mul3A_10 = arith.constant 256 : i32
    %mul3A_11 = arith.muli %arg1, %mul3A_10 : i32
    %iota3A = tpu.iota {dimensions = array<i32: 0>} : vector<256x256xi32>
    %add3A = vector.broadcast %mul3A_11 : i32 to vector<256x256xi32>
    %add3A_12 = arith.addi %add3A, %iota3A : vector<256x256xi32>
    %get3A_13 = arith.constant 0 : index
    %get3A_14 = arith.constant 0 : index
    %get3A_15 = vector.load %arg2[%get3A_13, %get3A_14] : memref<256x128xf32, #tpu.memory_space<vmem>>, vector<256x64xf32>
    %slice3A = vector.extract_strided_slice %get3A_15 {offsets = [0, 0], sizes = [256, 32], strides = [1, 1]} : vector<256x64xf32> to vector<256x32xf32>
    %slice3A_16 = vector.extract_strided_slice %get3A_15 {offsets = [0, 32], sizes = [256, 32], strides = [1, 1]} : vector<256x64xf32> to vector<256x32xf32>
    %mul3A_17 = arith.mulf %slice3A, %get3A_9 : vector<256x32xf32>
    %mul3A_18 = arith.mulf %slice3A_16, %get3A_4 : vector<256x32xf32>
    %sub3A = arith.subf %mul3A_17, %mul3A_18 : vector<256x32xf32>
    %mul3A_19 = arith.mulf %slice3A, %get3A_4 : vector<256x32xf32>
    %mul3A_20 = arith.mulf %slice3A_16, %get3A_9 : vector<256x32xf32>
    %add3A_21 = arith.addf %mul3A_19, %mul3A_20 : vector<256x32xf32>
    %concatenate3A = tpu.concatenate %sub3A, %add3A_21 in 1 : vector<256x32xf32>, vector<256x32xf32> -> vector<256x64xf32>
    %mul3A_22 = arith.constant 1.250000e-01 : f32
    %mul3A_23 = vector.broadcast %mul3A_22 : f32 to vector<256x64xf32>
    %mul3A_24 = arith.mulf %concatenate3A, %mul3A_23 : vector<256x64xf32>
    %broadcast_in_dim3A = arith.constant -1.000000e+30 : f32
    %broadcast_in_dim3A_25 = vector.broadcast %broadcast_in_dim3A : f32 to vector<256x1xf32>
    %broadcast_in_dim3A_26 = arith.constant 0.000000e+00 : f32
    %broadcast_in_dim3A_27 = vector.broadcast %broadcast_in_dim3A_26 : f32 to vector<256x1xf32>
    %broadcast_in_dim3A_28 = arith.constant 0.000000e+00 : f32
    %broadcast_in_dim3A_29 = vector.broadcast %broadcast_in_dim3A_28 : f32 to vector<256x64xf32>
    %add3A_30 = arith.constant 1 : i32
    %add3A_31 = arith.addi %arg1, %add3A_30 : i32
    %while3A = arith.constant 0 : i32
    %while3A_32 = arith.subi %add3A_31, %while3A : i32
    %while3A_33 = arith.addi %while3A, %while3A_32 : i32
    %while3A_34 = arith.constant 1 : i32
    %while3A_35 = arith.divsi %while3A_32, %while3A_34 : i32
    %while3A_36 = arith.muli %while3A_35, %while3A_34 : i32
    %while3A_37 = arith.addi %while3A, %while3A_36 : i32
    %while3A_38 = arith.constant 1 : i32
    %while3A_39:3 = scf.for %while3A_84 = %while3A to %while3A_37 step %while3A_38 iter_args(%while3A_85 = %broadcast_in_dim3A_25, %while3A_86 = %broadcast_in_dim3A_27, %while3A_87 = %broadcast_in_dim3A_29) -> (vector<256x1xf32>, vector<256x1xf32>, vector<256x64xf32>)  : i32 {
      %mul3A_88 = arith.constant 256 : i32
      %mul3A_89 = arith.muli %while3A_84, %mul3A_88 : i32
      %get3A_90 = arith.constant 0 : index
      %get3A_91 = arith.index_cast %mul3A_89 : i32 to index
      %get3A_92 = vector.load %arg10[%get3A_90, %get3A_91] : memref<128x2048xf32, #tpu.memory_space<vmem>>, vector<64x256xf32>
      %mul3A_93 = arith.constant 256 : i32
      %mul3A_94 = arith.muli %while3A_84, %mul3A_93 : i32
      %get3A_95 = arith.index_cast %mul3A_94 : i32 to index
      %get3A_96 = arith.constant 0 : index
      %get3A_97 = vector.load %arg4[%get3A_95, %get3A_96] : memref<2048x128xf32, #tpu.memory_space<vmem>>, vector<256x64xf32>
      %dot_general3A = arith.constant dense<0.000000e+00> : vector<256x256xf32>
      %dot_general3A_98 = tpu.matmul %mul3A_24, %get3A_92, %dot_general3A {dimension_numbers = #tpu.dot_dimension_numbers<[1], [0], [0], [1], [0, 0, 1, 1], [], []>, transpose_lhs_hint = false} : vector<256x64xf32>, vector<64x256xf32>, vector<256x256xf32> -> vector<256x256xf32>
      %mul3A_99 = arith.constant 256 : i32
      %mul3A_100 = arith.muli %while3A_84, %mul3A_99 : i32
      %iota3A_101 = tpu.iota {dimensions = array<i32: 1>} : vector<256x256xi32>
      %add3A_102 = vector.broadcast %mul3A_100 : i32 to vector<256x256xi32>
      %add3A_103 = arith.addi %add3A_102, %iota3A_101 : vector<256x256xi32>
      %ge3A = arith.cmpi sge, %add3A_12, %add3A_103 : vector<256x256xi32>
      %jit3A = arith.constant -1.000000e+30 : f32
      %broadcast_in_dim3A_104 = vector.broadcast %jit3A : f32 to vector<256x256xf32>
      %select_n3A = arith.select %ge3A, %dot_general3A_98, %broadcast_in_dim3A_104 : vector<256x256xi1>, vector<256x256xf32>
      %reduce_max3A = arith.constant dense<0xFF800000> : vector<256xf32>
      %reduce_max3A_105 = vector.multi_reduction <maximumf>, %select_n3A, %reduce_max3A [1] : vector<256x256xf32> to vector<256xf32>
      %broadcast_in_dim3A_106 = vector.shape_cast %reduce_max3A_105 : vector<256xf32> to vector<256x1xf32>
      %max3A = arith.maximumf %while3A_85, %broadcast_in_dim3A_106 : vector<256x1xf32>
      %sub3A_107 = vector.broadcast %max3A : vector<256x1xf32> to vector<256x256xf32>
      %sub3A_108 = arith.subf %select_n3A, %sub3A_107 : vector<256x256xf32>
      %exp3A = math.exp %sub3A_108 : vector<256x256xf32>
      %sub3A_109 = arith.subf %while3A_85, %max3A : vector<256x1xf32>
      %exp3A_110 = math.exp %sub3A_109 : vector<256x1xf32>
      %mul3A_111 = arith.mulf %while3A_86, %exp3A_110 : vector<256x1xf32>
      %reduce_sum3A = arith.constant dense<0.000000e+00> : vector<256xf32>
      %reduce_sum3A_112 = vector.multi_reduction <add>, %exp3A, %reduce_sum3A [1] : vector<256x256xf32> to vector<256xf32>
      %broadcast_in_dim3A_113 = vector.shape_cast %reduce_sum3A_112 : vector<256xf32> to vector<256x1xf32>
      %add3A_114 = arith.addf %mul3A_111, %broadcast_in_dim3A_113 : vector<256x1xf32>
      %mul3A_115 = vector.broadcast %exp3A_110 : vector<256x1xf32> to vector<256x64xf32>
      %mul3A_116 = arith.mulf %while3A_87, %mul3A_115 : vector<256x64xf32>
      %dot_general3A_117 = arith.constant dense<0.000000e+00> : vector<256x64xf32>
      %dot_general3A_118 = tpu.matmul %exp3A, %get3A_97, %dot_general3A_117 {dimension_numbers = #tpu.dot_dimension_numbers<[1], [0], [0], [1], [0, 0, 1, 1], [], []>, transpose_lhs_hint = false} : vector<256x256xf32>, vector<256x64xf32>, vector<256x64xf32> -> vector<256x64xf32>
      %add3A_119 = arith.addf %mul3A_116, %dot_general3A_118 : vector<256x64xf32>
      scf.yield %max3A, %add3A_114, %add3A_119 : vector<256x1xf32>, vector<256x1xf32>, vector<256x64xf32>
    }
    %while3A_40 = arith.constant 1 : i32
    %while3A_41:3 = scf.for %while3A_84 = %while3A_37 to %while3A_33 step %while3A_40 iter_args(%while3A_85 = %while3A_39#0, %while3A_86 = %while3A_39#1, %while3A_87 = %while3A_39#2) -> (vector<256x1xf32>, vector<256x1xf32>, vector<256x64xf32>)  : i32 {
      %mul3A_88 = arith.constant 256 : i32
      %mul3A_89 = arith.muli %while3A_84, %mul3A_88 : i32
      %get3A_90 = arith.constant 0 : index
      %get3A_91 = arith.index_cast %mul3A_89 : i32 to index
      %get3A_92 = vector.load %arg10[%get3A_90, %get3A_91] : memref<128x2048xf32, #tpu.memory_space<vmem>>, vector<64x256xf32>
      %mul3A_93 = arith.constant 256 : i32
      %mul3A_94 = arith.muli %while3A_84, %mul3A_93 : i32
      %get3A_95 = arith.index_cast %mul3A_94 : i32 to index
      %get3A_96 = arith.constant 0 : index
      %get3A_97 = vector.load %arg4[%get3A_95, %get3A_96] : memref<2048x128xf32, #tpu.memory_space<vmem>>, vector<256x64xf32>
      %dot_general3A = arith.constant dense<0.000000e+00> : vector<256x256xf32>
      %dot_general3A_98 = tpu.matmul %mul3A_24, %get3A_92, %dot_general3A {dimension_numbers = #tpu.dot_dimension_numbers<[1], [0], [0], [1], [0, 0, 1, 1], [], []>, transpose_lhs_hint = false} : vector<256x64xf32>, vector<64x256xf32>, vector<256x256xf32> -> vector<256x256xf32>
      %mul3A_99 = arith.constant 256 : i32
      %mul3A_100 = arith.muli %while3A_84, %mul3A_99 : i32
      %iota3A_101 = tpu.iota {dimensions = array<i32: 1>} : vector<256x256xi32>
      %add3A_102 = vector.broadcast %mul3A_100 : i32 to vector<256x256xi32>
      %add3A_103 = arith.addi %add3A_102, %iota3A_101 : vector<256x256xi32>
      %ge3A = arith.cmpi sge, %add3A_12, %add3A_103 : vector<256x256xi32>
      %jit3A = arith.constant -1.000000e+30 : f32
      %broadcast_in_dim3A_104 = vector.broadcast %jit3A : f32 to vector<256x256xf32>
      %select_n3A = arith.select %ge3A, %dot_general3A_98, %broadcast_in_dim3A_104 : vector<256x256xi1>, vector<256x256xf32>
      %reduce_max3A = arith.constant dense<0xFF800000> : vector<256xf32>
      %reduce_max3A_105 = vector.multi_reduction <maximumf>, %select_n3A, %reduce_max3A [1] : vector<256x256xf32> to vector<256xf32>
      %broadcast_in_dim3A_106 = vector.shape_cast %reduce_max3A_105 : vector<256xf32> to vector<256x1xf32>
      %max3A = arith.maximumf %while3A_85, %broadcast_in_dim3A_106 : vector<256x1xf32>
      %sub3A_107 = vector.broadcast %max3A : vector<256x1xf32> to vector<256x256xf32>
      %sub3A_108 = arith.subf %select_n3A, %sub3A_107 : vector<256x256xf32>
      %exp3A = math.exp %sub3A_108 : vector<256x256xf32>
      %sub3A_109 = arith.subf %while3A_85, %max3A : vector<256x1xf32>
      %exp3A_110 = math.exp %sub3A_109 : vector<256x1xf32>
      %mul3A_111 = arith.mulf %while3A_86, %exp3A_110 : vector<256x1xf32>
      %reduce_sum3A = arith.constant dense<0.000000e+00> : vector<256xf32>
      %reduce_sum3A_112 = vector.multi_reduction <add>, %exp3A, %reduce_sum3A [1] : vector<256x256xf32> to vector<256xf32>
      %broadcast_in_dim3A_113 = vector.shape_cast %reduce_sum3A_112 : vector<256xf32> to vector<256x1xf32>
      %add3A_114 = arith.addf %mul3A_111, %broadcast_in_dim3A_113 : vector<256x1xf32>
      %mul3A_115 = vector.broadcast %exp3A_110 : vector<256x1xf32> to vector<256x64xf32>
      %mul3A_116 = arith.mulf %while3A_87, %mul3A_115 : vector<256x64xf32>
      %dot_general3A_117 = arith.constant dense<0.000000e+00> : vector<256x64xf32>
      %dot_general3A_118 = tpu.matmul %exp3A, %get3A_97, %dot_general3A_117 {dimension_numbers = #tpu.dot_dimension_numbers<[1], [0], [0], [1], [0, 0, 1, 1], [], []>, transpose_lhs_hint = false} : vector<256x256xf32>, vector<256x64xf32>, vector<256x64xf32> -> vector<256x64xf32>
      %add3A_119 = arith.addf %mul3A_116, %dot_general3A_118 : vector<256x64xf32>
      scf.yield %max3A, %add3A_114, %add3A_119 : vector<256x1xf32>, vector<256x1xf32>, vector<256x64xf32>
    }
    %div3A = vector.broadcast %while3A_41#1 : vector<256x1xf32> to vector<256x64xf32>
    %div3A_42 = arith.divf %while3A_41#2, %div3A : vector<256x64xf32>
    %swap3A = arith.constant 0 : index
    %swap3A_43 = arith.constant 0 : index
    %swap3A_44 = vector.load %arg9[%swap3A, %swap3A_43] : memref<256x128xf32, #tpu.memory_space<vmem>>, vector<256x64xf32>
    tpu.vector_store %arg9[%swap3A, %swap3A_43], %div3A_42 {strides = array<i32>} : memref<256x128xf32, #tpu.memory_space<vmem>>, vector<256x64xf32>,
    %get3A_45 = arith.constant 0 : index
    %get3A_46 = arith.constant 64 : index
    %get3A_47 = vector.load %arg2[%get3A_45, %get3A_46] : memref<256x128xf32, #tpu.memory_space<vmem>>, vector<256x64xf32>
    %slice3A_48 = vector.extract_strided_slice %get3A_47 {offsets = [0, 0], sizes = [256, 32], strides = [1, 1]} : vector<256x64xf32> to vector<256x32xf32>
    %slice3A_49 = vector.extract_strided_slice %get3A_47 {offsets = [0, 32], sizes = [256, 32], strides = [1, 1]} : vector<256x64xf32> to vector<256x32xf32>
    %mul3A_50 = arith.mulf %slice3A_48, %get3A_9 : vector<256x32xf32>
    %mul3A_51 = arith.mulf %slice3A_49, %get3A_4 : vector<256x32xf32>
    %sub3A_52 = arith.subf %mul3A_50, %mul3A_51 : vector<256x32xf32>
    %mul3A_53 = arith.mulf %slice3A_48, %get3A_4 : vector<256x32xf32>
    %mul3A_54 = arith.mulf %slice3A_49, %get3A_9 : vector<256x32xf32>
    %add3A_55 = arith.addf %mul3A_53, %mul3A_54 : vector<256x32xf32>
    %concatenate3A_56 = tpu.concatenate %sub3A_52, %add3A_55 in 1 : vector<256x32xf32>, vector<256x32xf32> -> vector<256x64xf32>
    %mul3A_57 = arith.constant 1.250000e-01 : f32
    %mul3A_58 = vector.broadcast %mul3A_57 : f32 to vector<256x64xf32>
    %mul3A_59 = arith.mulf %concatenate3A_56, %mul3A_58 : vector<256x64xf32>
    %broadcast_in_dim3A_60 = arith.constant -1.000000e+30 : f32
    %broadcast_in_dim3A_61 = vector.broadcast %broadcast_in_dim3A_60 : f32 to vector<256x1xf32>
    %broadcast_in_dim3A_62 = arith.constant 0.000000e+00 : f32
    %broadcast_in_dim3A_63 = vector.broadcast %broadcast_in_dim3A_62 : f32 to vector<256x1xf32>
    %broadcast_in_dim3A_64 = arith.constant 0.000000e+00 : f32
    %broadcast_in_dim3A_65 = vector.broadcast %broadcast_in_dim3A_64 : f32 to vector<256x64xf32>
    %add3A_66 = arith.constant 1 : i32
    %add3A_67 = arith.addi %arg1, %add3A_66 : i32
    %while3A_68 = arith.constant 0 : i32
    %while3A_69 = arith.subi %add3A_67, %while3A_68 : i32
    %while3A_70 = arith.addi %while3A_68, %while3A_69 : i32
    %while3A_71 = arith.constant 1 : i32
    %while3A_72 = arith.divsi %while3A_69, %while3A_71 : i32
    %while3A_73 = arith.muli %while3A_72, %while3A_71 : i32
    %while3A_74 = arith.addi %while3A_68, %while3A_73 : i32
    %while3A_75 = arith.constant 1 : i32
    %while3A_76:3 = scf.for %while3A_84 = %while3A_68 to %while3A_74 step %while3A_75 iter_args(%while3A_85 = %broadcast_in_dim3A_61, %while3A_86 = %broadcast_in_dim3A_63, %while3A_87 = %broadcast_in_dim3A_65) -> (vector<256x1xf32>, vector<256x1xf32>, vector<256x64xf32>)  : i32 {
      %mul3A_88 = arith.constant 256 : i32
      %mul3A_89 = arith.muli %while3A_84, %mul3A_88 : i32
      %get3A_90 = arith.constant 64 : index
      %get3A_91 = arith.index_cast %mul3A_89 : i32 to index
      %get3A_92 = vector.load %arg10[%get3A_90, %get3A_91] : memref<128x2048xf32, #tpu.memory_space<vmem>>, vector<64x256xf32>
      %mul3A_93 = arith.constant 256 : i32
      %mul3A_94 = arith.muli %while3A_84, %mul3A_93 : i32
      %get3A_95 = arith.index_cast %mul3A_94 : i32 to index
      %get3A_96 = arith.constant 64 : index
      %get3A_97 = vector.load %arg4[%get3A_95, %get3A_96] : memref<2048x128xf32, #tpu.memory_space<vmem>>, vector<256x64xf32>
      %dot_general3A = arith.constant dense<0.000000e+00> : vector<256x256xf32>
      %dot_general3A_98 = tpu.matmul %mul3A_59, %get3A_92, %dot_general3A {dimension_numbers = #tpu.dot_dimension_numbers<[1], [0], [0], [1], [0, 0, 1, 1], [], []>, transpose_lhs_hint = false} : vector<256x64xf32>, vector<64x256xf32>, vector<256x256xf32> -> vector<256x256xf32>
      %mul3A_99 = arith.constant 256 : i32
      %mul3A_100 = arith.muli %while3A_84, %mul3A_99 : i32
      %iota3A_101 = tpu.iota {dimensions = array<i32: 1>} : vector<256x256xi32>
      %add3A_102 = vector.broadcast %mul3A_100 : i32 to vector<256x256xi32>
      %add3A_103 = arith.addi %add3A_102, %iota3A_101 : vector<256x256xi32>
      %ge3A = arith.cmpi sge, %add3A_12, %add3A_103 : vector<256x256xi32>
      %jit3A = arith.constant -1.000000e+30 : f32
      %broadcast_in_dim3A_104 = vector.broadcast %jit3A : f32 to vector<256x256xf32>
      %select_n3A = arith.select %ge3A, %dot_general3A_98, %broadcast_in_dim3A_104 : vector<256x256xi1>, vector<256x256xf32>
      %reduce_max3A = arith.constant dense<0xFF800000> : vector<256xf32>
      %reduce_max3A_105 = vector.multi_reduction <maximumf>, %select_n3A, %reduce_max3A [1] : vector<256x256xf32> to vector<256xf32>
      %broadcast_in_dim3A_106 = vector.shape_cast %reduce_max3A_105 : vector<256xf32> to vector<256x1xf32>
      %max3A = arith.maximumf %while3A_85, %broadcast_in_dim3A_106 : vector<256x1xf32>
      %sub3A_107 = vector.broadcast %max3A : vector<256x1xf32> to vector<256x256xf32>
      %sub3A_108 = arith.subf %select_n3A, %sub3A_107 : vector<256x256xf32>
      %exp3A = math.exp %sub3A_108 : vector<256x256xf32>
      %sub3A_109 = arith.subf %while3A_85, %max3A : vector<256x1xf32>
      %exp3A_110 = math.exp %sub3A_109 : vector<256x1xf32>
      %mul3A_111 = arith.mulf %while3A_86, %exp3A_110 : vector<256x1xf32>
      %reduce_sum3A = arith.constant dense<0.000000e+00> : vector<256xf32>
      %reduce_sum3A_112 = vector.multi_reduction <add>, %exp3A, %reduce_sum3A [1] : vector<256x256xf32> to vector<256xf32>
      %broadcast_in_dim3A_113 = vector.shape_cast %reduce_sum3A_112 : vector<256xf32> to vector<256x1xf32>
      %add3A_114 = arith.addf %mul3A_111, %broadcast_in_dim3A_113 : vector<256x1xf32>
      %mul3A_115 = vector.broadcast %exp3A_110 : vector<256x1xf32> to vector<256x64xf32>
      %mul3A_116 = arith.mulf %while3A_87, %mul3A_115 : vector<256x64xf32>
      %dot_general3A_117 = arith.constant dense<0.000000e+00> : vector<256x64xf32>
      %dot_general3A_118 = tpu.matmul %exp3A, %get3A_97, %dot_general3A_117 {dimension_numbers = #tpu.dot_dimension_numbers<[1], [0], [0], [1], [0, 0, 1, 1], [], []>, transpose_lhs_hint = false} : vector<256x256xf32>, vector<256x64xf32>, vector<256x64xf32> -> vector<256x64xf32>
      %add3A_119 = arith.addf %mul3A_116, %dot_general3A_118 : vector<256x64xf32>
      scf.yield %max3A, %add3A_114, %add3A_119 : vector<256x1xf32>, vector<256x1xf32>, vector<256x64xf32>
    }
    %while3A_77 = arith.constant 1 : i32
    %while3A_78:3 = scf.for %while3A_84 = %while3A_74 to %while3A_70 step %while3A_77 iter_args(%while3A_85 = %while3A_76#0, %while3A_86 = %while3A_76#1, %while3A_87 = %while3A_76#2) -> (vector<256x1xf32>, vector<256x1xf32>, vector<256x64xf32>)  : i32 {
      %mul3A_88 = arith.constant 256 : i32
      %mul3A_89 = arith.muli %while3A_84, %mul3A_88 : i32
      %get3A_90 = arith.constant 64 : index
      %get3A_91 = arith.index_cast %mul3A_89 : i32 to index
      %get3A_92 = vector.load %arg10[%get3A_90, %get3A_91] : memref<128x2048xf32, #tpu.memory_space<vmem>>, vector<64x256xf32>
      %mul3A_93 = arith.constant 256 : i32
      %mul3A_94 = arith.muli %while3A_84, %mul3A_93 : i32
      %get3A_95 = arith.index_cast %mul3A_94 : i32 to index
      %get3A_96 = arith.constant 64 : index
      %get3A_97 = vector.load %arg4[%get3A_95, %get3A_96] : memref<2048x128xf32, #tpu.memory_space<vmem>>, vector<256x64xf32>
      %dot_general3A = arith.constant dense<0.000000e+00> : vector<256x256xf32>
      %dot_general3A_98 = tpu.matmul %mul3A_59, %get3A_92, %dot_general3A {dimension_numbers = #tpu.dot_dimension_numbers<[1], [0], [0], [1], [0, 0, 1, 1], [], []>, transpose_lhs_hint = false} : vector<256x64xf32>, vector<64x256xf32>, vector<256x256xf32> -> vector<256x256xf32>
      %mul3A_99 = arith.constant 256 : i32
      %mul3A_100 = arith.muli %while3A_84, %mul3A_99 : i32
      %iota3A_101 = tpu.iota {dimensions = array<i32: 1>} : vector<256x256xi32>
      %add3A_102 = vector.broadcast %mul3A_100 : i32 to vector<256x256xi32>
      %add3A_103 = arith.addi %add3A_102, %iota3A_101 : vector<256x256xi32>
      %ge3A = arith.cmpi sge, %add3A_12, %add3A_103 : vector<256x256xi32>
      %jit3A = arith.constant -1.000000e+30 : f32
      %broadcast_in_dim3A_104 = vector.broadcast %jit3A : f32 to vector<256x256xf32>
      %select_n3A = arith.select %ge3A, %dot_general3A_98, %broadcast_in_dim3A_104 : vector<256x256xi1>, vector<256x256xf32>
      %reduce_max3A = arith.constant dense<0xFF800000> : vector<256xf32>
      %reduce_max3A_105 = vector.multi_reduction <maximumf>, %select_n3A, %reduce_max3A [1] : vector<256x256xf32> to vector<256xf32>
      %broadcast_in_dim3A_106 = vector.shape_cast %reduce_max3A_105 : vector<256xf32> to vector<256x1xf32>
      %max3A = arith.maximumf %while3A_85, %broadcast_in_dim3A_106 : vector<256x1xf32>
      %sub3A_107 = vector.broadcast %max3A : vector<256x1xf32> to vector<256x256xf32>
      %sub3A_108 = arith.subf %select_n3A, %sub3A_107 : vector<256x256xf32>
      %exp3A = math.exp %sub3A_108 : vector<256x256xf32>
      %sub3A_109 = arith.subf %while3A_85, %max3A : vector<256x1xf32>
      %exp3A_110 = math.exp %sub3A_109 : vector<256x1xf32>
      %mul3A_111 = arith.mulf %while3A_86, %exp3A_110 : vector<256x1xf32>
      %reduce_sum3A = arith.constant dense<0.000000e+00> : vector<256xf32>
      %reduce_sum3A_112 = vector.multi_reduction <add>, %exp3A, %reduce_sum3A [1] : vector<256x256xf32> to vector<256xf32>
      %broadcast_in_dim3A_113 = vector.shape_cast %reduce_sum3A_112 : vector<256xf32> to vector<256x1xf32>
      %add3A_114 = arith.addf %mul3A_111, %broadcast_in_dim3A_113 : vector<256x1xf32>
      %mul3A_115 = vector.broadcast %exp3A_110 : vector<256x1xf32> to vector<256x64xf32>
      %mul3A_116 = arith.mulf %while3A_87, %mul3A_115 : vector<256x64xf32>
      %dot_general3A_117 = arith.constant dense<0.000000e+00> : vector<256x64xf32>
      %dot_general3A_118 = tpu.matmul %exp3A, %get3A_97, %dot_general3A_117 {dimension_numbers = #tpu.dot_dimension_numbers<[1], [0], [0], [1], [0, 0, 1, 1], [], []>, transpose_lhs_hint = false} : vector<256x256xf32>, vector<256x64xf32>, vector<256x64xf32> -> vector<256x64xf32>
      %add3A_119 = arith.addf %mul3A_116, %dot_general3A_118 : vector<256x64xf32>
      scf.yield %max3A, %add3A_114, %add3A_119 : vector<256x1xf32>, vector<256x1xf32>, vector<256x64xf32>
    }
    %div3A_79 = vector.broadcast %while3A_78#1 : vector<256x1xf32> to vector<256x64xf32>
    %div3A_80 = arith.divf %while3A_78#2, %div3A_79 : vector<256x64xf32>
    %swap3A_81 = arith.constant 0 : index
    %swap3A_82 = arith.constant 64 : index
    %swap3A_83 = vector.load %arg9[%swap3A_81, %swap3A_82] : memref<256x128xf32, #tpu.memory_space<vmem>>, vector<256x64xf32>
    tpu.vector_store %arg9[%swap3A_81, %swap3A_82], %div3A_80 {strides = array<i32>} : memref<256x128xf32, #tpu.memory_space<vmem>>, vector<256x64xf32>,
    return
  }
  func.func @transform_0(%arg0: i32, %arg1: i32) -> (i32, i32) {
    %c0_i32 = arith.constant 0 : i32
    return %arg1, %arg0 : i32, i32
  }
  func.func @transform_1(%arg0: i32, %arg1: i32) -> (i32, i32) {
    %c0_i32 = arith.constant 0 : i32
    %c0_i32_0 = arith.constant 0 : i32
    return %arg0, %c0_i32 : i32, i32
  }
  func.func @transform_2(%arg0: i32, %arg1: i32) -> (i32, i32) {
    %add3A = arith.constant 16 : i32
    %add3A_0 = arith.addi %add3A, %arg0 : i32
    %c0_i32 = arith.constant 0 : i32
    %c0_i32_1 = arith.constant 0 : i32
    return %c0_i32, %add3A_0 : i32, i32
  }
  func.func @transform_3(%arg0: i32, %arg1: i32) -> (i32, i32) {
    %c0_i32 = arith.constant 0 : i32
    %c0_i32_0 = arith.constant 0 : i32
    %c0_i32_1 = arith.constant 0 : i32
    return %c0_i32, %c0_i32_0 : i32, i32
  }
  func.func @transform_4(%arg0: i32, %arg1: i32) -> (i32, i32) {
    %c0_i32 = arith.constant 0 : i32
    %c0_i32_0 = arith.constant 0 : i32
    %c0_i32_1 = arith.constant 0 : i32
    return %c0_i32, %c0_i32_0 : i32, i32
  }
  func.func @transform_5(%arg0: i32, %arg1: i32) -> (i32, i32) {
    %c0_i32 = arith.constant 0 : i32
    %c0_i32_0 = arith.constant 0 : i32
    %c0_i32_1 = arith.constant 0 : i32
    return %c0_i32, %c0_i32_0 : i32, i32
  }
  func.func @transform_6(%arg0: i32, %arg1: i32) -> (i32, i32) {
    %c0_i32 = arith.constant 0 : i32
    %c0_i32_0 = arith.constant 0 : i32
    %c0_i32_1 = arith.constant 0 : i32
    return %c0_i32, %c0_i32_0 : i32, i32
  }
  func.func @transform_7(%arg0: i32, %arg1: i32) -> (i32, i32) {
    %c0_i32 = arith.constant 0 : i32
    return %arg1, %arg0 : i32, i32
  }
}

module attributes {stable_mosaic.version = 14 : i64} {
  func.func @_qkv_body(%arg0: i32, %arg1: memref<256x1024xf32, #tpu.memory_space<vmem>>, %arg2: memref<1024x3072xf32, #tpu.memory_space<vmem>>, %arg3: memref<1024x1024xf32, #tpu.memory_space<vmem>>, %arg4: memref<1x3072xf32, #tpu.memory_space<vmem>>, %arg5: memref<1024x1xf32, #tpu.memory_space<vmem>>, %arg6: memref<1x1024xf32, #tpu.memory_space<vmem>>, %arg7: memref<256x3072xf32, #tpu.memory_space<vmem>>, %arg8: memref<1024x256xf32, #tpu.memory_space<vmem>>) attributes {dimension_semantics = [#tpu.dimension_semantics<arbitrary>], iteration_bounds = array<i64: 8>, scalar_prefetch = 0 : i64, scratch_operands = 0 : i64, tpu.core_type = #tpu.core_type<tc>, window_params = [{transform_indices = @transform_0, window_bounds = array<i64: 256, 1024>}, {pipeline_mode = #tpu.pipeline_mode<synchronous>, transform_indices = @transform_1, window_bounds = array<i64: 1024, 3072>}, {pipeline_mode = #tpu.pipeline_mode<synchronous>, transform_indices = @transform_2, window_bounds = array<i64: 1024, 1024>}, {pipeline_mode = #tpu.pipeline_mode<synchronous>, transform_indices = @transform_3, window_bounds = array<i64: 1, 3072>}, {pipeline_mode = #tpu.pipeline_mode<synchronous>, transform_indices = @transform_4, window_bounds = array<i64: 1024, 1>}, {pipeline_mode = #tpu.pipeline_mode<synchronous>, transform_indices = @transform_5, window_bounds = array<i64: 1, 1024>}, {transform_indices = @transform_6, window_bounds = array<i64: 256, 3072>}, {transform_indices = @transform_7, window_bounds = array<i64: 1024, 256>}]} {
    %get3A = arith.constant 0 : index
    %get3A_0 = arith.constant 0 : index
    %get3A_1 = vector.load %arg1[%get3A, %get3A_0] : memref<256x1024xf32, #tpu.memory_space<vmem>>, vector<256x1024xf32>
    %mul3A = arith.mulf %get3A_1, %get3A_1 : vector<256x1024xf32>
    %reduce_sum3A = arith.constant dense<0.000000e+00> : vector<256xf32>
    %reduce_sum3A_2 = vector.multi_reduction <add>, %mul3A, %reduce_sum3A [1] : vector<256x1024xf32> to vector<256xf32>
    %broadcast_in_dim3A = vector.shape_cast %reduce_sum3A_2 : vector<256xf32> to vector<256x1xf32>
    %div3A = arith.constant 1.024000e+03 : f32
    %div3A_3 = vector.broadcast %div3A : f32 to vector<256x1xf32>
    %div3A_4 = arith.divf %broadcast_in_dim3A, %div3A_3 : vector<256x1xf32>
    %sqrt3A = math.sqrt %div3A_4 : vector<256x1xf32>
    %add3A = arith.constant 9.99999974E-6 : f32
    %add3A_5 = vector.broadcast %add3A : f32 to vector<256x1xf32>
    %add3A_6 = arith.addf %sqrt3A, %add3A_5 : vector<256x1xf32>
    %div3A_7 = vector.broadcast %add3A_6 : vector<256x1xf32> to vector<256x1024xf32>
    %div3A_8 = arith.divf %get3A_1, %div3A_7 : vector<256x1024xf32>
    %get3A_9 = arith.constant 0 : index
    %get3A_10 = arith.constant 0 : index
    %get3A_11 = vector.load %arg6[%get3A_9, %get3A_10] : memref<1x1024xf32, #tpu.memory_space<vmem>>, vector<1x1024xf32>
    %mul3A_12 = vector.broadcast %get3A_11 : vector<1x1024xf32> to vector<256x1024xf32>
    %mul3A_13 = arith.mulf %div3A_8, %mul3A_12 : vector<256x1024xf32>
    %get3A_14 = arith.constant 0 : index
    %get3A_15 = arith.constant 0 : index
    %get3A_16 = vector.load %arg2[%get3A_14, %get3A_15] : memref<1024x3072xf32, #tpu.memory_space<vmem>>, vector<1024x3072xf32>
    %dot_general3A = arith.constant dense<0.000000e+00> : vector<256x3072xf32>
    %dot_general3A_17 = tpu.matmul %mul3A_13, %get3A_16, %dot_general3A {dimension_numbers = #tpu.dot_dimension_numbers<[1], [0], [0], [1], [0, 0, 1, 1], [], []>, transpose_lhs_hint = false} : vector<256x1024xf32>, vector<1024x3072xf32>, vector<256x3072xf32> -> vector<256x3072xf32>
    %get3A_18 = arith.constant 0 : index
    %get3A_19 = arith.constant 0 : index
    %get3A_20 = vector.load %arg4[%get3A_18, %get3A_19] : memref<1x3072xf32, #tpu.memory_space<vmem>>, vector<1x3072xf32>
    %add3A_21 = vector.broadcast %get3A_20 : vector<1x3072xf32> to vector<256x3072xf32>
    %add3A_22 = arith.addf %dot_general3A_17, %add3A_21 : vector<256x3072xf32>
    %swap3A = arith.constant 0 : index
    %swap3A_23 = arith.constant 0 : index
    %swap3A_24 = vector.load %arg7[%swap3A, %swap3A_23] : memref<256x3072xf32, #tpu.memory_space<vmem>>, vector<256x3072xf32>
    tpu.vector_store %arg7[%swap3A, %swap3A_23], %add3A_22 {strides = array<i32>} : memref<256x3072xf32, #tpu.memory_space<vmem>>, vector<256x3072xf32>,
    %get3A_25 = arith.constant 0 : index
    %get3A_26 = arith.constant 0 : index
    %get3A_27 = vector.load %arg3[%get3A_25, %get3A_26] : memref<1024x1024xf32, #tpu.memory_space<vmem>>, vector<1024x1024xf32>
    %dot_general3A_28 = arith.constant dense<0.000000e+00> : vector<1024x256xf32>
    %dot_general3A_29 = tpu.matmul %get3A_27, %mul3A_13, %dot_general3A_28 {dimension_numbers = #tpu.dot_dimension_numbers<[1], [1], [0], [0], [0, 0, 1, 0], [], []>, transpose_lhs_hint = false} : vector<1024x1024xf32>, vector<256x1024xf32>, vector<1024x256xf32> -> vector<1024x256xf32>
    %get3A_30 = arith.constant 0 : index
    %get3A_31 = arith.constant 0 : index
    %get3A_32 = vector.load %arg5[%get3A_30, %get3A_31] : memref<1024x1xf32, #tpu.memory_space<vmem>>, vector<1024x1xf32>
    %add3A_33 = vector.broadcast %get3A_32 : vector<1024x1xf32> to vector<1024x256xf32>
    %add3A_34 = arith.addf %dot_general3A_29, %add3A_33 : vector<1024x256xf32>
    %swap3A_35 = arith.constant 0 : index
    %swap3A_36 = arith.constant 0 : index
    %swap3A_37 = vector.load %arg8[%swap3A_35, %swap3A_36] : memref<1024x256xf32, #tpu.memory_space<vmem>>, vector<1024x256xf32>
    tpu.vector_store %arg8[%swap3A_35, %swap3A_36], %add3A_34 {strides = array<i32>} : memref<1024x256xf32, #tpu.memory_space<vmem>>, vector<1024x256xf32>,
    return
  }
  func.func @transform_0(%arg0: i32) -> (i32, i32) {
    %c0_i32 = arith.constant 0 : i32
    %c0_i32_0 = arith.constant 0 : i32
    return %arg0, %c0_i32 : i32, i32
  }
  func.func @transform_1(%arg0: i32) -> (i32, i32) {
    %c0_i32 = arith.constant 0 : i32
    %c0_i32_0 = arith.constant 0 : i32
    %c0_i32_1 = arith.constant 0 : i32
    return %c0_i32, %c0_i32_0 : i32, i32
  }
  func.func @transform_2(%arg0: i32) -> (i32, i32) {
    %c0_i32 = arith.constant 0 : i32
    %c0_i32_0 = arith.constant 0 : i32
    %c0_i32_1 = arith.constant 0 : i32
    return %c0_i32, %c0_i32_0 : i32, i32
  }
  func.func @transform_3(%arg0: i32) -> (i32, i32) {
    %c0_i32 = arith.constant 0 : i32
    %c0_i32_0 = arith.constant 0 : i32
    %c0_i32_1 = arith.constant 0 : i32
    return %c0_i32, %c0_i32_0 : i32, i32
  }
  func.func @transform_4(%arg0: i32) -> (i32, i32) {
    %c0_i32 = arith.constant 0 : i32
    %c0_i32_0 = arith.constant 0 : i32
    %c0_i32_1 = arith.constant 0 : i32
    return %c0_i32, %c0_i32_0 : i32, i32
  }
  func.func @transform_5(%arg0: i32) -> (i32, i32) {
    %c0_i32 = arith.constant 0 : i32
    %c0_i32_0 = arith.constant 0 : i32
    %c0_i32_1 = arith.constant 0 : i32
    return %c0_i32, %c0_i32_0 : i32, i32
  }
  func.func @transform_6(%arg0: i32) -> (i32, i32) {
    %c0_i32 = arith.constant 0 : i32
    %c0_i32_0 = arith.constant 0 : i32
    return %arg0, %c0_i32 : i32, i32
  }
  func.func @transform_7(%arg0: i32) -> (i32, i32) {
    %c0_i32 = arith.constant 0 : i32
    %c0_i32_0 = arith.constant 0 : i32
    return %c0_i32, %arg0 : i32, i32
  }
}

module attributes {stable_mosaic.version = 14 : i64} {
  func.func @_post_body(%arg0: i32, %arg1: memref<256x1024xf32, #tpu.memory_space<vmem>>, %arg2: memref<256x1024xf32, #tpu.memory_space<vmem>>, %arg3: memref<1024x1024xf32, #tpu.memory_space<vmem>>, %arg4: memref<1x1024xf32, #tpu.memory_space<vmem>>, %arg5: memref<1x1024xf32, #tpu.memory_space<vmem>>, %arg6: memref<128x1024xf32, #tpu.memory_space<vmem>>, %arg7: memref<128x1xf32, #tpu.memory_space<vmem>>, %arg8: memref<256x1024xf32, #tpu.memory_space<vmem>>, %arg9: memref<256x1024xf32, #tpu.memory_space<vmem>>, %arg10: memref<128x256xf32, #tpu.memory_space<vmem>>) attributes {dimension_semantics = [#tpu.dimension_semantics<arbitrary>], iteration_bounds = array<i64: 8>, scalar_prefetch = 0 : i64, scratch_operands = 0 : i64, tpu.core_type = #tpu.core_type<tc>, window_params = [{transform_indices = @transform_0, window_bounds = array<i64: 256, 1024>}, {transform_indices = @transform_1, window_bounds = array<i64: 256, 1024>}, {pipeline_mode = #tpu.pipeline_mode<synchronous>, transform_indices = @transform_2, window_bounds = array<i64: 1024, 1024>}, {pipeline_mode = #tpu.pipeline_mode<synchronous>, transform_indices = @transform_3, window_bounds = array<i64: 1, 1024>}, {pipeline_mode = #tpu.pipeline_mode<synchronous>, transform_indices = @transform_4, window_bounds = array<i64: 1, 1024>}, {pipeline_mode = #tpu.pipeline_mode<synchronous>, transform_indices = @transform_5, window_bounds = array<i64: 128, 1024>}, {pipeline_mode = #tpu.pipeline_mode<synchronous>, transform_indices = @transform_6, window_bounds = array<i64: 128, 1>}, {transform_indices = @transform_7, window_bounds = array<i64: 256, 1024>}, {transform_indices = @transform_8, window_bounds = array<i64: 256, 1024>}, {transform_indices = @transform_9, window_bounds = array<i64: 128, 256>}]} {
    %get3A = arith.constant 0 : index
    %get3A_0 = arith.constant 0 : index
    %get3A_1 = vector.load %arg1[%get3A, %get3A_0] : memref<256x1024xf32, #tpu.memory_space<vmem>>, vector<256x1024xf32>
    %get3A_2 = arith.constant 0 : index
    %get3A_3 = arith.constant 0 : index
    %get3A_4 = vector.load %arg2[%get3A_2, %get3A_3] : memref<256x1024xf32, #tpu.memory_space<vmem>>, vector<256x1024xf32>
    %get3A_5 = arith.constant 0 : index
    %get3A_6 = arith.constant 0 : index
    %get3A_7 = vector.load %arg3[%get3A_5, %get3A_6] : memref<1024x1024xf32, #tpu.memory_space<vmem>>, vector<1024x1024xf32>
    %dot_general3A = arith.constant dense<0.000000e+00> : vector<256x1024xf32>
    %dot_general3A_8 = tpu.matmul %get3A_1, %get3A_7, %dot_general3A {dimension_numbers = #tpu.dot_dimension_numbers<[1], [0], [0], [1], [0, 0, 1, 1], [], []>, transpose_lhs_hint = false} : vector<256x1024xf32>, vector<1024x1024xf32>, vector<256x1024xf32> -> vector<256x1024xf32>
    %add3A = arith.addf %get3A_4, %dot_general3A_8 : vector<256x1024xf32>
    %get3A_9 = arith.constant 0 : index
    %get3A_10 = arith.constant 0 : index
    %get3A_11 = vector.load %arg4[%get3A_9, %get3A_10] : memref<1x1024xf32, #tpu.memory_space<vmem>>, vector<1x1024xf32>
    %add3A_12 = vector.broadcast %get3A_11 : vector<1x1024xf32> to vector<256x1024xf32>
    %add3A_13 = arith.addf %add3A, %add3A_12 : vector<256x1024xf32>
    %swap3A = arith.constant 0 : index
    %swap3A_14 = arith.constant 0 : index
    %swap3A_15 = vector.load %arg8[%swap3A, %swap3A_14] : memref<256x1024xf32, #tpu.memory_space<vmem>>, vector<256x1024xf32>
    tpu.vector_store %arg8[%swap3A, %swap3A_14], %add3A_13 {strides = array<i32>} : memref<256x1024xf32, #tpu.memory_space<vmem>>, vector<256x1024xf32>,
    %mul3A = arith.mulf %add3A_13, %add3A_13 : vector<256x1024xf32>
    %reduce_sum3A = arith.constant dense<0.000000e+00> : vector<256xf32>
    %reduce_sum3A_16 = vector.multi_reduction <add>, %mul3A, %reduce_sum3A [1] : vector<256x1024xf32> to vector<256xf32>
    %broadcast_in_dim3A = vector.shape_cast %reduce_sum3A_16 : vector<256xf32> to vector<256x1xf32>
    %div3A = arith.constant 1.024000e+03 : f32
    %div3A_17 = vector.broadcast %div3A : f32 to vector<256x1xf32>
    %div3A_18 = arith.divf %broadcast_in_dim3A, %div3A_17 : vector<256x1xf32>
    %sqrt3A = math.sqrt %div3A_18 : vector<256x1xf32>
    %add3A_19 = arith.constant 9.99999974E-6 : f32
    %add3A_20 = vector.broadcast %add3A_19 : f32 to vector<256x1xf32>
    %add3A_21 = arith.addf %sqrt3A, %add3A_20 : vector<256x1xf32>
    %div3A_22 = vector.broadcast %add3A_21 : vector<256x1xf32> to vector<256x1024xf32>
    %div3A_23 = arith.divf %add3A_13, %div3A_22 : vector<256x1024xf32>
    %get3A_24 = arith.constant 0 : index
    %get3A_25 = arith.constant 0 : index
    %get3A_26 = vector.load %arg5[%get3A_24, %get3A_25] : memref<1x1024xf32, #tpu.memory_space<vmem>>, vector<1x1024xf32>
    %mul3A_27 = vector.broadcast %get3A_26 : vector<1x1024xf32> to vector<256x1024xf32>
    %mul3A_28 = arith.mulf %div3A_23, %mul3A_27 : vector<256x1024xf32>
    %swap3A_29 = arith.constant 0 : index
    %swap3A_30 = arith.constant 0 : index
    %swap3A_31 = vector.load %arg9[%swap3A_29, %swap3A_30] : memref<256x1024xf32, #tpu.memory_space<vmem>>, vector<256x1024xf32>
    tpu.vector_store %arg9[%swap3A_29, %swap3A_30], %mul3A_28 {strides = array<i32>} : memref<256x1024xf32, #tpu.memory_space<vmem>>, vector<256x1024xf32>,
    %get3A_32 = arith.constant 0 : index
    %get3A_33 = arith.constant 0 : index
    %get3A_34 = vector.load %arg6[%get3A_32, %get3A_33] : memref<128x1024xf32, #tpu.memory_space<vmem>>, vector<128x1024xf32>
    %dot_general3A_35 = arith.constant dense<0.000000e+00> : vector<128x256xf32>
    %dot_general3A_36 = tpu.matmul %get3A_34, %mul3A_28, %dot_general3A_35 {dimension_numbers = #tpu.dot_dimension_numbers<[1], [1], [0], [0], [0, 0, 1, 0], [], []>, transpose_lhs_hint = false} : vector<128x1024xf32>, vector<256x1024xf32>, vector<128x256xf32> -> vector<128x256xf32>
    %get3A_37 = arith.constant 0 : index
    %get3A_38 = arith.constant 0 : index
    %get3A_39 = vector.load %arg7[%get3A_37, %get3A_38] : memref<128x1xf32, #tpu.memory_space<vmem>>, vector<128x1xf32>
    %add3A_40 = vector.broadcast %get3A_39 : vector<128x1xf32> to vector<128x256xf32>
    %add3A_41 = arith.addf %dot_general3A_36, %add3A_40 : vector<128x256xf32>
    %swap3A_42 = arith.constant 0 : index
    %swap3A_43 = arith.constant 0 : index
    %swap3A_44 = vector.load %arg10[%swap3A_42, %swap3A_43] : memref<128x256xf32, #tpu.memory_space<vmem>>, vector<128x256xf32>
    tpu.vector_store %arg10[%swap3A_42, %swap3A_43], %add3A_41 {strides = array<i32>} : memref<128x256xf32, #tpu.memory_space<vmem>>, vector<128x256xf32>,
    return
  }
  func.func @transform_0(%arg0: i32) -> (i32, i32) {
    %c0_i32 = arith.constant 0 : i32
    %c0_i32_0 = arith.constant 0 : i32
    return %arg0, %c0_i32 : i32, i32
  }
  func.func @transform_1(%arg0: i32) -> (i32, i32) {
    %c0_i32 = arith.constant 0 : i32
    %c0_i32_0 = arith.constant 0 : i32
    return %arg0, %c0_i32 : i32, i32
  }
  func.func @transform_2(%arg0: i32) -> (i32, i32) {
    %c0_i32 = arith.constant 0 : i32
    %c0_i32_0 = arith.constant 0 : i32
    %c0_i32_1 = arith.constant 0 : i32
    return %c0_i32, %c0_i32_0 : i32, i32
  }
  func.func @transform_3(%arg0: i32) -> (i32, i32) {
    %c0_i32 = arith.constant 0 : i32
    %c0_i32_0 = arith.constant 0 : i32
    %c0_i32_1 = arith.constant 0 : i32
    return %c0_i32, %c0_i32_0 : i32, i32
  }
  func.func @transform_4(%arg0: i32) -> (i32, i32) {
    %c0_i32 = arith.constant 0 : i32
    %c0_i32_0 = arith.constant 0 : i32
    %c0_i32_1 = arith.constant 0 : i32
    return %c0_i32, %c0_i32_0 : i32, i32
  }
  func.func @transform_5(%arg0: i32) -> (i32, i32) {
    %c0_i32 = arith.constant 0 : i32
    %c0_i32_0 = arith.constant 0 : i32
    %c0_i32_1 = arith.constant 0 : i32
    return %c0_i32, %c0_i32_0 : i32, i32
  }
  func.func @transform_6(%arg0: i32) -> (i32, i32) {
    %c0_i32 = arith.constant 0 : i32
    %c0_i32_0 = arith.constant 0 : i32
    %c0_i32_1 = arith.constant 0 : i32
    return %c0_i32, %c0_i32_0 : i32, i32
  }
  func.func @transform_7(%arg0: i32) -> (i32, i32) {
    %c0_i32 = arith.constant 0 : i32
    %c0_i32_0 = arith.constant 0 : i32
    return %arg0, %c0_i32 : i32, i32
  }
  func.func @transform_8(%arg0: i32) -> (i32, i32) {
    %c0_i32 = arith.constant 0 : i32
    %c0_i32_0 = arith.constant 0 : i32
    return %arg0, %c0_i32 : i32, i32
  }
  func.func @transform_9(%arg0: i32) -> (i32, i32) {
    %c0_i32 = arith.constant 0 : i32
    %c0_i32_0 = arith.constant 0 : i32
    return %c0_i32, %arg0 : i32, i32
  }
}

module attributes {stable_mosaic.version = 14 : i64} {
  func.func @_ffn_body(%arg0: i32, %arg1: i32, %arg2: memref<25xi32, #tpu.memory_space<smem>>, %arg3: memref<256x1024xbf16, #tpu.memory_space<vmem>>, %arg4: memref<1x512x1024xbf16, #tpu.memory_space<vmem>>, %arg5: memref<1x512x1024xbf16, #tpu.memory_space<vmem>>, %arg6: memref<1x1024x512xbf16, #tpu.memory_space<vmem>>, %arg7: memref<1x1x512xf32, #tpu.memory_space<vmem>>, %arg8: memref<1x1x512xf32, #tpu.memory_space<vmem>>, %arg9: memref<1x1x1024xf32, #tpu.memory_space<vmem>>, %arg10: memref<256x1024xf32, #tpu.memory_space<vmem>>) attributes {dimension_semantics = [#tpu.dimension_semantics<arbitrary>, #tpu.dimension_semantics<arbitrary>], iteration_bounds = array<i64: 24, 8>, scalar_prefetch = 1 : i64, scratch_operands = 0 : i64, tpu.core_type = #tpu.core_type<tc>, window_params = [{transform_indices = @transform_0, window_bounds = array<i64: 256, 1024>}, {transform_indices = @transform_1, window_bounds = array<i64: 1, 512, 1024>}, {transform_indices = @transform_2, window_bounds = array<i64: 1, 512, 1024>}, {transform_indices = @transform_3, window_bounds = array<i64: 1, 1024, 512>}, {transform_indices = @transform_4, window_bounds = array<i64: 1, 1, 512>}, {transform_indices = @transform_5, window_bounds = array<i64: 1, 1, 512>}, {transform_indices = @transform_6, window_bounds = array<i64: 1, 1, 1024>}, {transform_indices = @transform_7, window_bounds = array<i64: 256, 1024>}]} {
    %get3A = arith.constant 24 : index
    %get3A_0 = memref.load %arg2[%get3A] : memref<25xi32, #tpu.memory_space<smem>>
    %lt3A = arith.cmpi slt, %arg0, %get3A_0 : i32
    %convert_element_type3A = arith.extui %lt3A : i1 to i32
    %cond3A = arith.constant 0 : i32
    %cond3A_1 = arith.cmpi ne, %convert_element_type3A, %cond3A : i32
    scf.if %cond3A_1 {
      %get3A_2 = arith.constant 0 : index
      %get3A_3 = arith.constant 0 : index
      %get3A_4 = vector.load %arg3[%get3A_2, %get3A_3] : memref<256x1024xbf16, #tpu.memory_space<vmem>>, vector<256x1024xbf16>
      %get3A_5 = arith.constant 0 : index
      %get3A_6 = arith.constant 0 : index
      %get3A_7 = arith.constant 0 : index
      %get3A_8 = vector.load %arg4[%get3A_5, %get3A_6, %get3A_7] : memref<1x512x1024xbf16, #tpu.memory_space<vmem>>, vector<1x512x1024xbf16>
      %get3A_9 = vector.shape_cast %get3A_8 : vector<1x512x1024xbf16> to vector<512x1024xbf16>
      %dot_general3A = arith.constant dense<0.000000e+00> : vector<256x512xf32>
      %dot_general3A_10 = tpu.matmul %get3A_4, %get3A_9, %dot_general3A {dimension_numbers = #tpu.dot_dimension_numbers<[1], [1], [0], [0], [0, 0, 1, 0], [], []>, transpose_lhs_hint = false} : vector<256x1024xbf16>, vector<512x1024xbf16>, vector<256x512xf32> -> vector<256x512xf32>
      %get3A_11 = arith.constant 0 : index
      %get3A_12 = arith.constant 0 : index
      %get3A_13 = arith.constant 0 : index
      %get3A_14 = vector.load %arg7[%get3A_11, %get3A_12, %get3A_13] : memref<1x1x512xf32, #tpu.memory_space<vmem>>, vector<1x1x512xf32>
      %get3A_15 = vector.shape_cast %get3A_14 : vector<1x1x512xf32> to vector<1x512xf32>
      %add3A = vector.broadcast %get3A_15 : vector<1x512xf32> to vector<256x512xf32>
      %add3A_16 = arith.addf %dot_general3A_10, %add3A : vector<256x512xf32>
      %get3A_17 = arith.constant 0 : index
      %get3A_18 = arith.constant 0 : index
      %get3A_19 = arith.constant 0 : index
      %get3A_20 = vector.load %arg5[%get3A_17, %get3A_18, %get3A_19] : memref<1x512x1024xbf16, #tpu.memory_space<vmem>>, vector<1x512x1024xbf16>
      %get3A_21 = vector.shape_cast %get3A_20 : vector<1x512x1024xbf16> to vector<512x1024xbf16>
      %dot_general3A_22 = arith.constant dense<0.000000e+00> : vector<256x512xf32>
      %dot_general3A_23 = tpu.matmul %get3A_4, %get3A_21, %dot_general3A_22 {dimension_numbers = #tpu.dot_dimension_numbers<[1], [1], [0], [0], [0, 0, 1, 0], [], []>, transpose_lhs_hint = false} : vector<256x1024xbf16>, vector<512x1024xbf16>, vector<256x512xf32> -> vector<256x512xf32>
      %get3A_24 = arith.constant 0 : index
      %get3A_25 = arith.constant 0 : index
      %get3A_26 = arith.constant 0 : index
      %get3A_27 = vector.load %arg8[%get3A_24, %get3A_25, %get3A_26] : memref<1x1x512xf32, #tpu.memory_space<vmem>>, vector<1x1x512xf32>
      %get3A_28 = vector.shape_cast %get3A_27 : vector<1x1x512xf32> to vector<1x512xf32>
      %add3A_29 = vector.broadcast %get3A_28 : vector<1x512xf32> to vector<256x512xf32>
      %add3A_30 = arith.addf %dot_general3A_23, %add3A_29 : vector<256x512xf32>
      %logistic3A = arith.negf %add3A_16 : vector<256x512xf32>
      %logistic3A_31 = math.exp %logistic3A : vector<256x512xf32>
      %logistic3A_32 = arith.constant 1.000000e+00 : f32
      %logistic3A_33 = vector.broadcast %logistic3A_32 : f32 to vector<256x512xf32>
      %logistic3A_34 = arith.addf %logistic3A_33, %logistic3A_31 : vector<256x512xf32>
      %logistic3A_35 = arith.divf %logistic3A_33, %logistic3A_34 : vector<256x512xf32>
      %mul3A = arith.mulf %add3A_16, %logistic3A_35 : vector<256x512xf32>
      %mul3A_36 = arith.mulf %mul3A, %add3A_30 : vector<256x512xf32>
      %convert_element_type3A_37 = arith.truncf %mul3A_36 : vector<256x512xf32> to vector<256x512xbf16>
      %get3A_38 = arith.constant 0 : index
      %get3A_39 = arith.constant 0 : index
      %get3A_40 = arith.constant 0 : index
      %get3A_41 = vector.load %arg6[%get3A_38, %get3A_39, %get3A_40] : memref<1x1024x512xbf16, #tpu.memory_space<vmem>>, vector<1x1024x512xbf16>
      %get3A_42 = vector.shape_cast %get3A_41 : vector<1x1024x512xbf16> to vector<1024x512xbf16>
      %dot_general3A_43 = arith.constant dense<0.000000e+00> : vector<256x1024xf32>
      %dot_general3A_44 = tpu.matmul %convert_element_type3A_37, %get3A_42, %dot_general3A_43 {dimension_numbers = #tpu.dot_dimension_numbers<[1], [1], [0], [0], [0, 0, 1, 0], [], []>, transpose_lhs_hint = false} : vector<256x512xbf16>, vector<1024x512xbf16>, vector<256x1024xf32> -> vector<256x1024xf32>
      %eq3A = arith.constant 0 : i32
      %eq3A_45 = arith.cmpi eq, %arg1, %eq3A : i32
      %convert_element_type3A_46 = arith.extui %eq3A_45 : i1 to i32
      %cond3A_47 = arith.constant 0 : i32
      %cond3A_48 = arith.cmpi ne, %convert_element_type3A_46, %cond3A_47 : i32
      scf.if %cond3A_48 {
        %get3A_53 = arith.constant 0 : index
        %get3A_54 = arith.constant 0 : index
        %get3A_55 = arith.constant 0 : index
        %get3A_56 = vector.load %arg9[%get3A_53, %get3A_54, %get3A_55] : memref<1x1x1024xf32, #tpu.memory_space<vmem>>, vector<1x1x1024xf32>
        %get3A_57 = vector.shape_cast %get3A_56 : vector<1x1x1024xf32> to vector<1x1024xf32>
        %add3A_58 = vector.broadcast %get3A_57 : vector<1x1024xf32> to vector<256x1024xf32>
        %add3A_59 = arith.addf %dot_general3A_44, %add3A_58 : vector<256x1024xf32>
        %swap3A = arith.constant 0 : index
        %swap3A_60 = arith.constant 0 : index
        %swap3A_61 = vector.load %arg10[%swap3A, %swap3A_60] : memref<256x1024xf32, #tpu.memory_space<vmem>>, vector<256x1024xf32>
        tpu.vector_store %arg10[%swap3A, %swap3A_60], %add3A_59 {strides = array<i32>} : memref<256x1024xf32, #tpu.memory_space<vmem>>, vector<256x1024xf32>,
      } else {
      }
      %gt3A = arith.constant 0 : i32
      %gt3A_49 = arith.cmpi sgt, %arg1, %gt3A : i32
      %convert_element_type3A_50 = arith.extui %gt3A_49 : i1 to i32
      %cond3A_51 = arith.constant 0 : i32
      %cond3A_52 = arith.cmpi ne, %convert_element_type3A_50, %cond3A_51 : i32
      scf.if %cond3A_52 {
        %get3A_53 = arith.constant 0 : index
        %get3A_54 = arith.constant 0 : index
        %get3A_55 = vector.load %arg10[%get3A_53, %get3A_54] : memref<256x1024xf32, #tpu.memory_space<vmem>>, vector<256x1024xf32>
        %add3A_56 = arith.addf %get3A_55, %dot_general3A_44 : vector<256x1024xf32>
        %swap3A = arith.constant 0 : index
        %swap3A_57 = arith.constant 0 : index
        %swap3A_58 = vector.load %arg10[%swap3A, %swap3A_57] : memref<256x1024xf32, #tpu.memory_space<vmem>>, vector<256x1024xf32>
        tpu.vector_store %arg10[%swap3A, %swap3A_57], %add3A_56 {strides = array<i32>} : memref<256x1024xf32, #tpu.memory_space<vmem>>, vector<256x1024xf32>,
      } else {
      }
    } else {
    }
    return
  }
  func.func @transform_0(%arg0: i32, %arg1: i32, %arg2: memref<25xi32, #tpu.memory_space<smem>>) -> (i32, i32) {
    %c0_i32 = arith.constant 0 : i32
    %c0_i32_0 = arith.constant 0 : i32
    return %arg0, %c0_i32 : i32, i32
  }
  func.func @transform_1(%arg0: i32, %arg1: i32, %arg2: memref<25xi32, #tpu.memory_space<smem>>) -> (i32, i32, i32) {
    %get3A = arith.index_cast %arg0 : i32 to index
    %get3A_0 = memref.load %arg2[%get3A] : memref<25xi32, #tpu.memory_space<smem>>
    %c0_i32 = arith.constant 0 : i32
    %c0_i32_1 = arith.constant 0 : i32
    return %get3A_0, %arg1, %c0_i32 : i32, i32, i32
  }
  func.func @transform_2(%arg0: i32, %arg1: i32, %arg2: memref<25xi32, #tpu.memory_space<smem>>) -> (i32, i32, i32) {
    %get3A = arith.index_cast %arg0 : i32 to index
    %get3A_0 = memref.load %arg2[%get3A] : memref<25xi32, #tpu.memory_space<smem>>
    %c0_i32 = arith.constant 0 : i32
    %c0_i32_1 = arith.constant 0 : i32
    return %get3A_0, %arg1, %c0_i32 : i32, i32, i32
  }
  func.func @transform_3(%arg0: i32, %arg1: i32, %arg2: memref<25xi32, #tpu.memory_space<smem>>) -> (i32, i32, i32) {
    %get3A = arith.index_cast %arg0 : i32 to index
    %get3A_0 = memref.load %arg2[%get3A] : memref<25xi32, #tpu.memory_space<smem>>
    %c0_i32 = arith.constant 0 : i32
    %c0_i32_1 = arith.constant 0 : i32
    return %get3A_0, %c0_i32, %arg1 : i32, i32, i32
  }
  func.func @transform_4(%arg0: i32, %arg1: i32, %arg2: memref<25xi32, #tpu.memory_space<smem>>) -> (i32, i32, i32) {
    %get3A = arith.index_cast %arg0 : i32 to index
    %get3A_0 = memref.load %arg2[%get3A] : memref<25xi32, #tpu.memory_space<smem>>
    %mul3A = arith.constant 8 : i32
    %mul3A_1 = arith.muli %get3A_0, %mul3A : i32
    %add3A = arith.addi %mul3A_1, %arg1 : i32
    %c0_i32 = arith.constant 0 : i32
    %c0_i32_2 = arith.constant 0 : i32
    %c0_i32_3 = arith.constant 0 : i32
    return %add3A, %c0_i32, %c0_i32_2 : i32, i32, i32
  }
  func.func @transform_5(%arg0: i32, %arg1: i32, %arg2: memref<25xi32, #tpu.memory_space<smem>>) -> (i32, i32, i32) {
    %get3A = arith.index_cast %arg0 : i32 to index
    %get3A_0 = memref.load %arg2[%get3A] : memref<25xi32, #tpu.memory_space<smem>>
    %mul3A = arith.constant 8 : i32
    %mul3A_1 = arith.muli %get3A_0, %mul3A : i32
    %add3A = arith.addi %mul3A_1, %arg1 : i32
    %c0_i32 = arith.constant 0 : i32
    %c0_i32_2 = arith.constant 0 : i32
    %c0_i32_3 = arith.constant 0 : i32
    return %add3A, %c0_i32, %c0_i32_2 : i32, i32, i32
  }
  func.func @transform_6(%arg0: i32, %arg1: i32, %arg2: memref<25xi32, #tpu.memory_space<smem>>) -> (i32, i32, i32) {
    %get3A = arith.index_cast %arg0 : i32 to index
    %get3A_0 = memref.load %arg2[%get3A] : memref<25xi32, #tpu.memory_space<smem>>
    %c0_i32 = arith.constant 0 : i32
    %c0_i32_1 = arith.constant 0 : i32
    %c0_i32_2 = arith.constant 0 : i32
    return %get3A_0, %c0_i32, %c0_i32_1 : i32, i32, i32
  }
  func.func @transform_7(%arg0: i32, %arg1: i32, %arg2: memref<25xi32, #tpu.memory_space<smem>>) -> (i32, i32) {
    %c0_i32 = arith.constant 0 : i32
    %c0_i32_0 = arith.constant 0 : i32
    return %arg0, %c0_i32 : i32, i32
  }
}

module attributes {stable_mosaic.version = 14 : i64} {
  func.func @_combine_body(%arg0: i32, %arg1: memref<256x1024xf32, #tpu.memory_space<vmem>>, %arg2: memref<256x1024xf32, #tpu.memory_space<vmem>>, %arg3: memref<256x1024xf32, #tpu.memory_space<vmem>>, %arg4: memref<256x1xf32, #tpu.memory_space<vmem>>, %arg5: memref<256x1xf32, #tpu.memory_space<vmem>>, %arg6: memref<1x16xf32, #tpu.memory_space<vmem>>, %arg7: memref<256x1024xf32, #tpu.memory_space<vmem>>, %arg8: memref<1x1xf32, #tpu.memory_space<vmem>>) attributes {dimension_semantics = [#tpu.dimension_semantics<arbitrary>], iteration_bounds = array<i64: 8>, scalar_prefetch = 0 : i64, scratch_operands = 0 : i64, tpu.core_type = #tpu.core_type<tc>, window_params = [{transform_indices = @transform_0, window_bounds = array<i64: 256, 1024>}, {transform_indices = @transform_1, window_bounds = array<i64: 256, 1024>}, {transform_indices = @transform_2, window_bounds = array<i64: 256, 1024>}, {transform_indices = @transform_3, window_bounds = array<i64: 256, 1>}, {transform_indices = @transform_4, window_bounds = array<i64: 256, 1>}, {pipeline_mode = #tpu.pipeline_mode<synchronous>, transform_indices = @transform_5, window_bounds = array<i64: 1, 16>}, {transform_indices = @transform_6, window_bounds = array<i64: 256, 1024>}, {pipeline_mode = #tpu.pipeline_mode<synchronous>, transform_indices = @transform_7, window_bounds = array<i64: 1, 1>}]} {
    %get3A = arith.constant 0 : index
    %get3A_0 = arith.constant 0 : index
    %get3A_1 = vector.load %arg1[%get3A, %get3A_0] : memref<256x1024xf32, #tpu.memory_space<vmem>>, vector<256x1024xf32>
    %get3A_2 = arith.constant 0 : index
    %get3A_3 = arith.constant 0 : index
    %get3A_4 = vector.load %arg4[%get3A_2, %get3A_3] : memref<256x1xf32, #tpu.memory_space<vmem>>, vector<256x1xf32>
    %get3A_5 = arith.constant 0 : index
    %get3A_6 = arith.constant 0 : index
    %get3A_7 = vector.load %arg2[%get3A_5, %get3A_6] : memref<256x1024xf32, #tpu.memory_space<vmem>>, vector<256x1024xf32>
    %mul3A = vector.broadcast %get3A_4 : vector<256x1xf32> to vector<256x1024xf32>
    %mul3A_8 = arith.mulf %mul3A, %get3A_7 : vector<256x1024xf32>
    %add3A = arith.addf %get3A_1, %mul3A_8 : vector<256x1024xf32>
    %get3A_9 = arith.constant 0 : index
    %get3A_10 = arith.constant 0 : index
    %get3A_11 = vector.load %arg5[%get3A_9, %get3A_10] : memref<256x1xf32, #tpu.memory_space<vmem>>, vector<256x1xf32>
    %get3A_12 = arith.constant 0 : index
    %get3A_13 = arith.constant 0 : index
    %get3A_14 = vector.load %arg3[%get3A_12, %get3A_13] : memref<256x1024xf32, #tpu.memory_space<vmem>>, vector<256x1024xf32>
    %mul3A_15 = vector.broadcast %get3A_11 : vector<256x1xf32> to vector<256x1024xf32>
    %mul3A_16 = arith.mulf %mul3A_15, %get3A_14 : vector<256x1024xf32>
    %add3A_17 = arith.addf %add3A, %mul3A_16 : vector<256x1024xf32>
    %swap3A = arith.constant 0 : index
    %swap3A_18 = arith.constant 0 : index
    %swap3A_19 = vector.load %arg7[%swap3A, %swap3A_18] : memref<256x1024xf32, #tpu.memory_space<vmem>>, vector<256x1024xf32>
    tpu.vector_store %arg7[%swap3A, %swap3A_18], %add3A_17 {strides = array<i32>} : memref<256x1024xf32, #tpu.memory_space<vmem>>, vector<256x1024xf32>,
    %eq3A = arith.constant 0 : i32
    %eq3A_20 = arith.cmpi eq, %arg0, %eq3A : i32
    %convert_element_type3A = arith.extui %eq3A_20 : i1 to i32
    %cond3A = arith.constant 0 : i32
    %cond3A_21 = arith.cmpi ne, %convert_element_type3A, %cond3A : i32
    scf.if %cond3A_21 {
      %get3A_22 = arith.constant 0 : index
      %get3A_23 = arith.constant 0 : index
      %get3A_24 = vector.load %arg6[%get3A_22, %get3A_23] : memref<1x16xf32, #tpu.memory_space<vmem>>, vector<1x16xf32>
      %reduce_sum3A = vector.shape_cast %get3A_24 : vector<1x16xf32> to vector<1x1x16xf32>
      %reduce_sum3A_25 = arith.constant dense<0.000000e+00> : vector<1xf32>
      %reduce_sum3A_26 = vector.multi_reduction <add>, %reduce_sum3A, %reduce_sum3A_25 [1, 2] : vector<1x1x16xf32> to vector<1xf32>
      %reduce_sum3A_27 = vector.shape_cast %reduce_sum3A_26 : vector<1xf32> to vector<1x1x1xf32>
      %reduce_sum3A_28 = vector.extract %reduce_sum3A_27[0, 0, 0] : f32 from vector<1x1x1xf32>
      %div3A = vector.broadcast %reduce_sum3A_28 : f32 to vector<1x16xf32>
      %div3A_29 = arith.divf %get3A_24, %div3A : vector<1x16xf32>
      %sub3A = arith.constant 1.250000e-01 : f32
      %sub3A_30 = vector.broadcast %sub3A : f32 to vector<1x16xf32>
      %sub3A_31 = arith.subf %div3A_29, %sub3A_30 : vector<1x16xf32>
      %iota3A = tpu.iota {dimensions = array<i32: 1>} : vector<1x16xi32>
      %lt3A = arith.constant 8 : i32
      %lt3A_32 = vector.broadcast %lt3A : i32 to vector<1x16xi32>
      %lt3A_33 = arith.cmpi slt, %iota3A, %lt3A_32 : vector<1x16xi32>
      %jit3A = arith.constant 0.000000e+00 : f32
      %broadcast_in_dim3A = vector.broadcast %jit3A : f32 to vector<1x16xf32>
      %select_n3A = arith.select %lt3A_33, %sub3A_31, %broadcast_in_dim3A : vector<1x16xi1>, vector<1x16xf32>
      %mul3A_34 = arith.mulf %select_n3A, %select_n3A : vector<1x16xf32>
      %reduce_sum3A_35 = vector.shape_cast %mul3A_34 : vector<1x16xf32> to vector<1x1x16xf32>
      %reduce_sum3A_36 = arith.constant dense<0.000000e+00> : vector<1xf32>
      %reduce_sum3A_37 = vector.multi_reduction <add>, %reduce_sum3A_35, %reduce_sum3A_36 [1, 2] : vector<1x1x16xf32> to vector<1xf32>
      %reduce_sum3A_38 = vector.shape_cast %reduce_sum3A_37 : vector<1xf32> to vector<1x1x1xf32>
      %reduce_sum3A_39 = vector.extract %reduce_sum3A_38[0, 0, 0] : f32 from vector<1x1x1xf32>
      %broadcast_in_dim3A_40 = vector.broadcast %reduce_sum3A_39 : f32 to vector<1x1xf32>
      %swap3A_41 = arith.constant 0 : index
      %swap3A_42 = arith.constant 0 : index
      %swap3A_43 = vector.load %arg8[%swap3A_41, %swap3A_42] : memref<1x1xf32, #tpu.memory_space<vmem>>, vector<1x1xf32>
      tpu.vector_store %arg8[%swap3A_41, %swap3A_42], %broadcast_in_dim3A_40 {strides = array<i32>} : memref<1x1xf32, #tpu.memory_space<vmem>>, vector<1x1xf32>,
    } else {
    }
    return
  }
  func.func @transform_0(%arg0: i32) -> (i32, i32) {
    %c0_i32 = arith.constant 0 : i32
    %c0_i32_0 = arith.constant 0 : i32
    return %arg0, %c0_i32 : i32, i32
  }
  func.func @transform_1(%arg0: i32) -> (i32, i32) {
    %c0_i32 = arith.constant 0 : i32
    %c0_i32_0 = arith.constant 0 : i32
    return %arg0, %c0_i32 : i32, i32
  }
  func.func @transform_2(%arg0: i32) -> (i32, i32) {
    %c0_i32 = arith.constant 0 : i32
    %c0_i32_0 = arith.constant 0 : i32
    return %arg0, %c0_i32 : i32, i32
  }
  func.func @transform_3(%arg0: i32) -> (i32, i32) {
    %c0_i32 = arith.constant 0 : i32
    %c0_i32_0 = arith.constant 0 : i32
    return %arg0, %c0_i32 : i32, i32
  }
  func.func @transform_4(%arg0: i32) -> (i32, i32) {
    %c0_i32 = arith.constant 0 : i32
    %c0_i32_0 = arith.constant 0 : i32
    return %arg0, %c0_i32 : i32, i32
  }
  func.func @transform_5(%arg0: i32) -> (i32, i32) {
    %c0_i32 = arith.constant 0 : i32
    %c0_i32_0 = arith.constant 0 : i32
    %c0_i32_1 = arith.constant 0 : i32
    return %c0_i32, %c0_i32_0 : i32, i32
  }
  func.func @transform_6(%arg0: i32) -> (i32, i32) {
    %c0_i32 = arith.constant 0 : i32
    %c0_i32_0 = arith.constant 0 : i32
    return %arg0, %c0_i32 : i32, i32
  }
  func.func @transform_7(%arg0: i32) -> (i32, i32) {
    %c0_i32 = arith.constant 0 : i32
    %c0_i32_0 = arith.constant 0 : i32
    %c0_i32_1 = arith.constant 0 : i32
    return %c0_i32, %c0_i32_0 : i32, i32
  }
}

</mosaic_0001>

<sc_bundles>
// kernel: gather_offload_async_start.1
scs
__scs_entry_jumppad:
0x0: {  	(pc) =	sbr.rel $0x88, $3  }
0x1: {  	(tag) =	ssettag $0x0;
	lr =	simm.s32 $0x1  }
0x2: {  	[smem:$0x3F92] =	sst lr;
	_ =	strace $0xD0000000  }
0x3: {  	_ = 	snop  }
0x4: {  	_ = 	snop  }
0x5: {  	_ = 	snop  }
0x6: {  	_ = 	snop  }
0x7: {  	_ = 	snop  }
__scs_overlays_trampoline_lowered:
0x8: {  	[smem:$0x3FA1] =	sst s0  }
0x9: {  	[smem:$0x3FA2] =	sst s1  }
0xa: {  	[smem:$0x3FA3] =	sst s2  }
0xb: {  	[smem:$0x3FA4] =	sst s3  }
0xc: {  	[smem:$0x3FA5] =	sst s4  }
0xd: {  	[smem:$0x3FA6] =	sst s5  }
0xe: {  	[smem:$0x3FA7] =	sst s6  }
0xf: {  	[smem:$0x3FA8] =	sst s7  }
0x10: {  	[smem:$0x3FA9] =	sst s8  }
0x11: {  	[smem:$0x3FAA] =	sst s9;
	s0 =	simm.s32 @!p0 $0x0  }
0x12: {  	s1 =	sld [smem:$0x3F90];
	s0 =	simm.s32 @p0 $0x1  }
0x13: {  	[smem:$0x3FAB] =	sst s0;
	s0 =	simm.s32 @!p1 $0x0  }
0x14: {  	s2 =	sld [smem:$0x3F8F];
	s0 =	simm.s32 @p1 $0x1  }
0x15: {  	[smem:$0x3FAC] =	sst s0;
	s0 =	simm.s32 @!p2 $0x0  }
0x16: {  	s3 =	sld [smem:$0x3FDB];
	s0 =	simm.s32 @p2 $0x1  }
0x17: {  	s4 =	simm.s32 $0x1BF5;
	[smem:$0x3FAE] =	sst s0  }
0x18: {  	s0 =	sld [smem:$0x3F91];
	_ =	swait.ge [sflag:s4], $0x0  }
0x19: {  	s7 =	sld [smem:$0x3F92]  }
0x1a: {  	s8 =	sadd.s32 $0xFFFFE003, lr  }
0x1b: {  	s9 =	sadd.s32 $0xFFFFFEF7, lr;
	s5 =	simm.s32 $0xFFFFFFFF;
	p2 =	slt.u32 s8, $0xFFFFF086  }
0x1c: {  	p1 =	slt.u32 s9, $0xF7A;
	s5 =	simm.s32 @!p2 $0x0  }
0x1d: {  	s5 =	simm.s32 @p1 $0x1;
	p0 =	seq.s32 s7, s2  }
0x1e: {  	s7 =	smul.u32 @!p0 $0xF7A, s2;
	p2 =	seq.s32 @!p0 s5, $0x0  }
0x1f: {  	s9 =	smul.u32 $0xF7A, s1;
	s8 =	simm.s32 @!p0 $0x1BF5;
	p2 =	por !p2, p0  }
0x20: {  	[sflag:s8] =	ssyncset.s32 @!p0 $0xFFFFF086;
	s6 =	sadd.s32 @!p0 s3, s7;
	s7 =	simm.s32 @!p0 $0x108  }
0x21: {  	s3 =	sadd.s32 s3, s9;
	s6 =	sadd.s32 @!p0 $0x88, s6;
	s7 =	simm.s32 @p2 $0x1082  }
0x22: {  	[simem:s7], [sflag:s8] =	dma.local @!p0 [hbm:s6], $0xF7A  }
0x23: {  	s9 =	sor.u32 $0xD0000000, s2;
	s6 =	simm.s32 $0x108;
	_ =	swait.ge @!p0 [sflag:s8], $0x0  }
0x24: {  	s3 =	sadd.s32 $0x88, s3;
	s6 =	simm.s32 @!p1 $0x1082;
	[sflag:s4] =	ssyncset.s32 $0xFFFFF086  }
0x25: {  	[simem:s6], [sflag:s4] =	dma.local [hbm:s3], $0xF7A  }
0x26: {  	[smem:$0x3F92] =	sst s1;
	(tag) =	ssettag s2;
	_ =	strace s9  }
0x27: {  	s1 =	sld [smem:$0x3FA2]  }
0x28: {  	s2 =	sld [smem:$0x3FA3]  }
0x29: {  	s4 =	sld [smem:$0x3FA5]  }
0x2a: {  	p0 =	seq.s32 s5, $0x0;
	s5 =	sld [smem:$0x3FA6]  }
0x2b: {  	s6 =	sld [smem:$0x3FA7]  }
0x2c: {  	s7 =	sld [smem:$0x3FA8]  }
0x2d: {  	s3 =	simm.s32 $0x108;
	s8 =	sld [smem:$0x3FA9]  }
0x2e: {  	s3 =	simm.s32 @!p0 $0x1082;
	s9 =	sld [smem:$0x3FAA]  }
0x2f: {  	lr =	sadd.s32 s0, s3;
	s0 =	sld [smem:$0x3FA1]  }
0x30: {  	s3 =	sld [smem:$0x3FA4]  }
0x31: {  	[smem:$0x3FAD] =	sst s10  }
0x32: {  	s10 =	sld [smem:$0x3FAB];
	_ =	sdelay $0x3  }
0x33: {  	p0 =	seq.s32 s10, $0x1;
	s10 =	sld [smem:$0x3FAD];
	_ =	sdelay $0x3  }
0x34: {  	[smem:$0x3FAD] =	sst s10  }
0x35: {  	s10 =	sld [smem:$0x3FAC];
	_ =	sdelay $0x3  }
0x36: {  	p1 =	seq.s32 s10, $0x1;
	s10 =	sld [smem:$0x3FAD];
	_ =	sdelay $0x3  }
0x37: {  	[smem:$0x3FAD] =	sst s10  }
0x38: {  	s10 =	sld [smem:$0x3FAE]  }
0x39: {  	_ = 	snop;
	(pc) =	sbr.ind lr, $3  }
0x3a: {  	_ = 	snop  }
0x3b: {  	_ = 	snop  }
0x3c: {  	p2 =	seq.s32 s10, $0x1;
	s10 =	sld [smem:$0x3FAD]  }
0x3d: {  	_ =	shalt  }
0x3e: {  	_ =	shalt  }
0x3f: {  	_ =	shalt  }
0x40: {  	_ =	shalt  }
0x41: {  	_ =	shalt  }
0x42: {  	_ =	shalt  }
0x43: {  	_ =	shalt  }
0x44: {  	_ =	shalt  }
0x45: {  	_ =	shalt  }
0x46: {  	_ =	shalt  }
0x47: {  	_ =	shalt  }
0x48: {  	_ =	shalt  }
0x49: {  	_ =	shalt  }
0x4a: {  	_ =	shalt  }
0x4b: {  	_ =	shalt  }
0x4c: {  	_ =	shalt  }
0x4d: {  	_ =	shalt  }
0x4e: {  	_ =	shalt  }
0x4f: {  	_ =	shalt  }
0x50: {  	_ =	shalt  }
0x51: {  	_ =	shalt  }
0x52: {  	_ =	shalt  }
0x53: {  	_ =	shalt  }
0x54: {  	_ =	shalt  }
0x55: {  	_ =	shalt  }
0x56: {  	_ =	shalt  }
0x57: {  	_ =	shalt  }
0x58: {  	_ =	shalt  }
0x59: {  	_ =	shalt  }
0x5a: {  	_ =	shalt  }
0x5b: {  	_ =	shalt  }
0x5c: {  	_ =	shalt  }
0x5d: {  	_ =	shalt  }
0x5e: {  	_ =	shalt  }
0x5f: {  	_ =	shalt  }
0x60: {  	_ =	shalt  }
0x61: {  	_ =	shalt  }
0x62: {  	_ =	shalt  }
0x63: {  	_ =	shalt  }
0x64: {  	_ =	shalt  }
0x65: {  	_ =	shalt  }
0x66: {  	_ =	shalt  }
0x67: {  	_ =	shalt  }
0x68: {  	_ =	shalt  }
0x69: {  	_ =	shalt  }
0x6a: {  	_ =	shalt  }
0x6b: {  	_ =	shalt  }
0x6c: {  	_ =	shalt  }
0x6d: {  	_ =	shalt  }
0x6e: {  	_ =	shalt  }
0x6f: {  	_ =	shalt  }
0x70: {  	_ =	shalt  }
0x71: {  	_ =	shalt  }
0x72: {  	_ =	shalt  }
0x73: {  	_ =	shalt  }
0x74: {  	_ =	shalt  }
0x75: {  	_ =	shalt  }
0x76: {  	_ =	shalt  }
0x77: {  	_ =	shalt  }
0x78: {  	_ =	shalt  }
0x79: {  	_ =	shalt  }
0x7a: {  	_ =	shalt  }
0x7b: {  	_ =	shalt  }
0x7c: {  	_ =	shalt  }
0x7d: {  	_ =	shalt  }
0x7e: {  	_ =	shalt  }
0x7f: {  	_ =	shalt  }
0x80: {  	_ =	shalt  }
0x81: {  	_ =	shalt  }
0x82: {  	_ =	shalt  }
0x83: {  	_ =	shalt  }
0x84: {  	_ =	shalt  }
0x85: {  	_ =	shalt  }
0x86: {  	_ =	shalt  }
0x87: {  	_ =	shalt  }
.Lfunc_end0:
.L_simem_size_0:
called_computation.1_lowered:
.L_overlay_start_0:
0x88: {  	s2 =	sld [smem:$0x3FD9]  }
0x89: {  	s3 =	sld [smem:$0x3FFE];
	_ =	sdelay $0x1  }
0x8a: {  	s1 =	srdreg.scid  }
0x8b: {  	s0 =	sand.u32 $0x1, s1  }
0x8c: {  	s17 =	sshll.u32 s0, $0xA;
	s2 =	sadd.s32 s3, s2  }
0x8d: {  	s2 =	sadd.s32 s2, s17  }
0x8e: {  	[smem:$0x3FB9] =	sst s2  }
0x8f: {  	_ = 	snop  }
0x90: {  	(tm) =	ssettm $0x1  }
0x91: {  	s18 =	sld [smem:$0x3FFB];
	_ =	sdelay $0x3  }
0x92: {  	_ =	strace s18  }
0x93: {  	s2 =	sld [smem:$0x3FFC];
	_ =	sdelay $0x3  }
0x94: {  	_ =	strace s2  }
0x95: {  	s2 =	sld [smem:$0x3FFD];
	_ =	sdelay $0x3  }
0x96: {  	_ =	strace s2  }
0x97: {  	_ =	strace $0x8FFFFFFF  }
0x98: {  	s19 =	sld [smem:$0x3FDB];
	_ =	sdelay $0x1  }
0x99: {  	s20 =	simm.s32 $_scs_section_size  }
0x9a: {  	s4 =	simm.s32 $_size__tile_overlayer_lowered;
	s5 =	simm.s32 $_tile_overlayer_lowered  }
0x9b: {  	s6 =	simm.s32 $0x1BFF;
	s21 =	sshll.u32 s5, $0x1;
	s3 =	sadd.s32 s20, s19  }
0x9c: {  	s22 =	simm.s32 $0x0;
	s4 =	sshll.u32 s4, $0x1;
	s5 =	sadd.s32 s21, s3  }
0x9d: {  	[timem:s22], [sflag:s6] =	dma.local [hbm:s5], s4  }
0x9e: {  	_ =	swait.ge [sflag:s6], s4  }
0x9f: {  	s4 =	ssub.s32 $0x0, s4;
	[sflag:s6] =	ssyncset.done $0x0  }
0xa0: {  	[sflag:s6] =	ssyncadd.s32 s4;
	_ =	sdelay $0x1  }
0xa1: {  	s23 =	simm.s32 $0x1B8B  }
0xa2: {  	_ =	swait.ge [sflag:s23], $0x1  }
0xa3: {  	[sflag:s23] =	ssyncset.done $0x0  }
0xa4: {  	[sflag:s23] =	ssyncadd.s32 $0xFFFFFFFF  }
0xa5: {  	s4 =	sld [smem:$0x0]  }
0xa6: {  	s5 =	sand.u32 $0xFFFFFFFE, s1  }
0xa7: {  	p0 =	sne.s32 s1, s5  }
0xa8: {  	s5 =	sshll.u32 @p0 s5, $0xE  }
0xa9: {  	s5 =	sadd.s32 @p0 $0x11B8D, s5;
	s6 =	sshll.u32 @p0 s4, $0x11  }
0xaa: {  	s5 =	sor.u32 @p0 s6, s5  }
0xab: {  	[sflag:s5] =	ssyncadd.remote.s32 @p0 $0x1;
	_ =	sdelay $0x1  }
0xac: {  	s5 =	simm.s32 @p0 $0x1B8D  }
0xad: {  	_ =	swait.eq @p0 [sflag:s5], $0x1  }
0xae: {  	[sflag:s5] =	ssyncadd.s32 @p0 $0xFFFFFFFF  }
0xaf: {  	s6 =	sshll.u32 @!p0 s1, $0xE  }
0xb0: {  	s6 =	sor.u32 @!p0 $0x4000, s6;
	s5 =	simm.s32 @!p0 $0x1B8D  }
0xb1: {  	s4 =	sshll.u32 @!p0 s4, $0x11;
	s6 =	sadd.s32 @!p0 $0x11B8D, s6;
	_ =	swait.eq @!p0 [sflag:s5], $0x1  }
0xb2: {  	s4 =	sor.u32 @!p0 s4, s6;
	[sflag:s5] =	ssyncadd.s32 @!p0 $0xFFFFFFFF  }
0xb3: {  	s25 =	simm.s32 $0x1B8E;
	s24 =	sld [smem:$0x3FFE];
	[sflag:s4] =	ssyncadd.remote.s32 @!p0 $0x1  }
0xb4: {  	s26 =	simm.s32 $execute0_lowered;
	[smem:$0x3FD2] =	sst s25  }
0xb5: {  	s5 =	sshll.u32 s26, $0x1;
	_ =	strace $0x80000049;
	[dreg:$0x1] =	wrdreg $0xFFFFFFFF  }
0xb6: {  	s28 =	simm.s32 $_size_execute0_lowered;
	s3 =	sadd.s32 s3, s5;
	[dreg:$0x0] =	wrdreg $0x0  }
0xb7: {  	s5 =	sshll.u32 s28, $0x1;
	[dreg:$0x2] =	wrdreg s3  }
0xb8: {  	[dreg:$0x3] =	wrdreg s5  }
0xb9: {  	[dreg:$0x4] =	wrdreg $0xC0  }
0xba: {  	_ =	task [dreg:s22], $0x5FFFF  }
0xbb: {  	[dreg:$0x1] =	wrdreg $0xFFFFFFFF  }
0xbc: {  	[dreg:$0x0] =	wrdreg $0x60  }
0xbd: {  	[dreg:$0x2] =	wrdreg s24  }
0xbe: {  	[dreg:$0x3] =	wrdreg $0xA  }
0xbf: {  	_ =	task.clear_ibuf [dreg:s22], $0x4FFFF;
	_ =	strace $0x90000049  }
0xc0: {  	s29 =	simm.s32 $0xA;
	_ =	strace $0x8000004B  }
0xc1: {  	_ =	swait.ge [sflag:s29], $0x1  }
0xc2: {  	[sflag:s29] =	ssyncadd.s32 $0xFFFFFFFF  }
0xc3: {  	_ =	strace $0x9000004B  }
0xc4: {  	_ =	sfence  }
0xc5: {  	s30 =	sld [smem:$0x0];
	_ =	sdelay $0x2  }
0xc6: {  	s31 =	sshll.u32 s1, $0xD;
	s1 =	sshrl.u32 s1, $0x2  }
0xc7: {  	s4 =	sand.u32 $0x4000, s31;
	s1 =	sadd.s32 s1, s30  }
0xc8: {  	s0 =	sor.u32 s4, s0;
	s1 =	sshll.u32 s1, $0x11  }
0xc9: {  	s0 =	sor.u32 s1, s0  }
0xca: {  	s0 =	sadd.s32 $0x8F2B, s0  }
0xcb: {  	[sflag:s0] =	ssyncadd.remote.s32 $0x1  }
0xcc: {  	_ =	sfence.sel $0xFFFF  }
0xcd: {  	[dreg:$0x0] =	wrdreg $0xFFFFFFFF;
	(pc) =	sbr.abs _section_cstart, $3  }
0xce: {  	[dreg:$0x1] =	wrdreg $0xFFFFFFFF  }
0xcf: {  	_ =	task.clear_ibuf [dreg:s22], $0x2FFFF;
	_ =	strace $0x9FFFFFFF  }
0xd0: {  	(tm) =	ssettm $0x7FFFFFFF  }
0xd1: {  	_ =	shalt  }
tec
execute0_lowered:
.L_overlay_start_1:
0x0: {  	(tag) =	ssettag $0x1  }
0x1: {  	s7 =	rddreg [dreg:$0x0]  }
0x2: {  	s0 =	rddreg [dreg:$0x1];
	_ =	strace $0x8000004A  }
0x3: {  	s1 =	srdreg.scid;
	s4 =	simm.s32 $0x1;
	s9 =	simm.s32 $0x3  }
0x4: {  	s11 =	simm.s32 $0x0;
	p0 =	por $0x0, $0x0;
	s5 =	sshll.u32 s1, $0x4  }
.Ltmp0:
0x5: {  	s1 =	stileid.u32;
	s5 =	sand.u32 $0x10, s5;
	(pc) =	sbr.rel .LBB2_1-.Ltmp0, $4  }
0x6: {  	s2 =	sadd.s32 $0x649000, s7;
	s3 =	sadd.s32 $0x40C00, s7;
	s6 =	sor.u32 s1, s5  }
0x7: {  	[sflag:s4] =	ssyncpa.u1 $0x0;
	s5 =	simm.s32 $0x2;
	s6 =	sshll.u32 s6, $0x6  }
0x8: {  	s7 =	sadd.s32 $0x40E00, s7;
	[sflag:s5] =	ssyncpa.u1 $0x0;
	s8 =	sadd.s32 $0x40, s6  }
0x9: {  	vm0 =	vmmov $0xff;
	vm1 =	vcmask $0x3F20;
	[sflag:s9] =	ssyncpa.u1 $0x0;
	s10 =	smov.u32 s6;
	s9 =	simm.s32 $0x0  }
.LBB2_9:
0xa: {  	p1 =	slt.u32 s9, $0x2;
	s11 =	sadd.s32 $0x20, s10  }
0xb: {  	s13 =	smov.u32 s6;
	s9 =	sadd.s32 $0x1, s9;
	p2 =	slt.s32 s11, s8  }
0xc: {  	s13 =	smov.u32 @p2 s11;
	p2 =	sne.s32 s9, $0x4  }
.Ltmp1:
0xd: {  	_ = 	snop;
	(pc) =	sbr.rel @!p2 .LBB2_10-.Ltmp1, $4  }
0xe: {  	s12 =	simm.s32 @!p1 $0x3  }
0xf: {  	_ =	swait.ge @!p1 [sflag:s12], $0x8000  }
0x10: {  	p0 =	por !p0, !p0;
	[sflag:s12] =	ssyncset.done @!p1 $0x0  }
0x11: {  	s11 =	smov.u32 s10;
	s10 =	smov.u32 s13;
	[sflag:s12] =	ssyncadd.s32 @!p1 $0xFFFF8000  }
.LBB2_1:
0x12: {  	p1 =	sgt.u32 s9, $0x1  }
0x13: {  	s12 =	sshll.u32 @!p1 s9, $0x5;
	s13 =	sshrl.u32 @!p1 s10, $0x3  }
0x14: {  	s14 =	sand.u32 @!p1 $0x7, s10;
	s12 =	sxor.u32 @!p1 $0x20, s12;
	s13 =	sadd.s32 @!p1 s3, s13  }
0x15: {  	[tilespmem:s12], [sflag:$0x2] =	stream.linear.gather @!p1 [hbm4b:s13+s14], $0x20, $0x38;
	[tilespmem:$0x10040] =	vst v63  }
0x16: {  	p1 =	seq.s32 s9, $0x0  }
0x17: {  	p2 =	seq.s32 @!p1 s9, $0x3  }
0x18: {  	p1 =	por p1, p2  }
.Ltmp2:
0x19: {  	_ = 	snop;
	(pc) =	sbr.rel @p1 .LBB2_9-.Ltmp2, $1  }
0x1a: {  	_ =	sdelay $0x3  }
0x1b: {  	s12 =	simm.s32 $0x1  }
0x1c: {  	_ =	swait.ge [sflag:s5], $0x20;
	s13 =	sand.u32 $0x1, s9;
	s12 =	simm.s32 @!p0 $0x0  }
0x1d: {  	s15 =	simm.s32 $0x0;
	p2 =	por $0x1, $0x1;
	s12 =	sshll.u32 s12, $0x11  }
0x1e: {  	[sflag:s5] =	ssyncset.done $0x0;
	s13 =	sshll.u32 s13, $0x5;
	s14 =	sshrl.u32 s12, $0x2  }
0x1f: {  	[sflag:s5] =	ssyncadd.s32 $0xFFFFFFE0;
	s12 =	sor.u32 $0x40, s14;
	s14 =	sadd.s32 $0x40, s14  }
.LBB2_3:
0x20: {  	s16 =	sshll.u32 s15, $0x4  }
0x21: {  	s16 =	sand.u32 $0x3FFFFFF0, s16  }
0x22: {  	s16 =	sadd.s32 s16, s13  }
0x23: {  	v0 =	vld.msk [tilespmem:s16+$0x0 ss:$0x1], $0xffff;
	_ =	sdelay $0x4  }
0x24: {  	vm2 =	vgt.s32 v0, $0x0  }
0x25: {  	v0 =	vnsel vm2, $0x0, v0  }
0x26: {  	v0 =	vmin.u32 v0, $0x17FF  }
0x27: {  	v1 =	vshll.u32 v0, $0x7;
	v0 =	vshll.u32 v0, $0x4  }
0x28: {  	v1 =	vand.u32 $0xFFC00, v1;
	v0 =	vand.u32 $0x70, v0  }
0x29: {  	v0 =	vor.u32 v0, v1  }
0x2a: {  	s31 =	sshll.u32 s15, $0x10  }
0x2b: {  	s15 =	sshra.s32 s31, $0x2  }
0x2c: {  	s15 =	sadd.s32 s15, s14  }
0x2d: {  	s17 =	sadd.s32 $0x0, s15  }
0x2e: {  	[tilespmem:s17], [sflag:$0x1] =	stream.indirect_vreg.gather [hbm:s2], $0x80, v0, vm0, $0x38;
	[tilespmem:$0x10040] =	vst v63  }
0x2f: {  	p1 =	por p2, p2;
	s16 =	simm.s32 $0x1000;
	v1 =	vadd.s32 $0x80, v0;
	s17 =	sadd.s32 $0x2000, s17  }
.LBB2_4:
0x30: {  	[tilespmem:s17], [sflag:$0x1] =	stream.indirect_vreg.gather [hbm:s2], $0x80, v0, vm1, $0x38;
	[tilespmem:$0x10040] =	vst v63  }
0x31: {  	v0 =	vmov v1;
	s17 =	smov.u32 s16;
	p2 =	sne.s32 s16, $0x7000  }
.Ltmp3:
0x32: {  	s16 =	sadd.s32 $0x1000, s16;
	(pc) =	sbr.rel @p2 .LBB2_4-.Ltmp3, $4  }
0x33: {  	s17 =	sshra.s32 s17, $0x2  }
0x34: {  	s17 =	sadd.s32 s17, s15  }
0x35: {  	[tilespmem:s17], [sflag:$0x1] =	stream.indirect_vreg.gather [hbm:s2], $0x80, v1, vm0, $0x38;
	[tilespmem:$0x10040] =	vst v63  }
0x36: {  	s17 =	sadd.s32 $0x2000, s17;
	v1 =	vadd.s32 $0x80, v1  }
0x37: {  	_ = 	snop  }
.Ltmp4:
0x38: {  	_ = 	snop;
	(pc) =	sbr.rel @p1 .LBB2_3-.Ltmp4, $3  }
0x39: {  	_ =	sdelay $0x1  }
0x3a: {  	[tilespmem:s17], [sflag:$0x1] =	stream.indirect_vreg.gather [hbm:s2], $0x80, v0, vm1, $0x38;
	[tilespmem:$0x10040] =	vst v63  }
0x3b: {  	s15 =	simm.s32 $0x1;
	p2 =	por $0x0, $0x0  }
0x3c: {  	s13 =	sshll.u32 s11, $0x7  }
0x3d: {  	s31 =	sshll.u32 s11, $0x4;
	s13 =	sand.u32 $0xFFFFFC00, s13  }
0x3e: {  	_ =	swait.ge [sflag:s4], $0x8000;
	s11 =	sand.u32 $0x70, s31;
	s13 =	sadd.s32 s13, s7  }
0x3f: {  	s14 =	sadd.s32 $0x2000, s12;
	[sflag:s4] =	ssyncset.done $0x0;
	s11 =	sadd.s32 s11, s13  }
0x40: {  	[sflag:s4] =	ssyncadd.s32 $0xFFFF8000;
	s13 =	simm.s32 $0x400;
	s15 =	sadd.s32 $0x0, s11  }
.LBB2_7:
0x41: {  	[hbm:s15] =	stream.linear.scatter [tilespmem:s12], [sflag:$0x3], $0x2000, $0x38;
	[tilespmem:$0x10040] =	vst v63  }
0x42: {  	s15 =	smov.u32 s13;
	s12 =	smov.u32 s14;
	p1 =	sne.s32 s13, $0xC00  }
.Ltmp5:
0x43: {  	s13 =	sadd.s32 $0x400, s13;
	(pc) =	sbr.rel @p1 .LBB2_7-.Ltmp5, $2  }
0x44: {  	_ =	sdelay $0x2  }
0x45: {  	s14 =	sadd.s32 $0x2000, s14;
	s15 =	sadd.s32 s15, s11  }
.Ltmp6:
0x46: {  	(pc) =	sbr.rel .LBB2_9-.Ltmp6, $2  }
0x47: {  	_ =	sdelay $0x2  }
0x48: {  	[hbm:s15] =	stream.linear.scatter [tilespmem:s12], [sflag:$0x3], $0x2000, $0x38;
	[tilespmem:$0x10040] =	vst v63  }
.LBB2_10:
0x49: {  	_ =	sfence.sel $0x180000  }
0x4a: {  	s2 =	simm.s32 $0x2;
	[bflag:$0x0] =	sbarrier.arrive $0xFFFF  }
0x4b: {  	s30 =	simm.s32 $0x3;
	[sflag:s2] =	ssyncpa.u1 $0x1  }
0x4c: {  	s31 =	simm.s32 $0x1;
	[sflag:s30] =	ssyncpa.u1 $0x1  }
0x4d: {  	[sflag:s31] =	ssyncpa.u1 $0x1  }
0x4e: {  	p0 =	sne.s32 s1, $0x0;
	_ =	strace $0x9000004A  }
0x4f: {  	s0 =	sadd.s32 @!p0 $0x100000, s0;
	[bflag:$0x2] =	sbarrier.arrive $0xFFFF  }
0x50: {  	[sflag:s0] =	ssyncadd.tile.s32 @!p0 $0x1;
	_ =	shalt  }
.Lfunc_end2:
_tile_overlayer_lowered:
.L_overlay_start_2:
0x51: {  	(tag) =	ssettag $0x2  }
0x52: {  	s0 =	rddreg [dreg:$0x0];
	s2 =	stileid.u32  }
0x53: {  	s1 =	rddreg [dreg:$0x1];
	p0 =	sne.s32 s2, $0x0  }
0x54: {  	s3 =	rddreg [dreg:$0x2];
	[bflag:$0x3] =	sbarrier.arrive $0xFFFF;
	s2 =	simm.s32 @!p0 $0x1C01  }
0x55: {  	[timem:s3], [sflag:s2] =	dma.local @!p0 [hbm:s0], s1  }
0x56: {  	s0 =	simm.s32 @!p0 $0x1  }
0x57: {  	_ =	swait.ge @!p0 [sflag:s0], s1  }
0x58: {  	s1 =	ssub.s32 @!p0 $0x0, s1;
	[sflag:s0] =	ssyncset.done @!p0 $0x0  }
0x59: {  	[sflag:s0] =	ssyncadd.s32 @!p0 s1  }
0x5a: {  	[bflag:$0x3] =	sbarrier.arrive $0xFFFF  }
0x5b: {  	_ =	shalt  }

// kernel: gather_offload_async_start
scs
__scs_entry_jumppad:
0x0: {  	(pc) =	sbr.rel $0x88, $3  }
0x1: {  	(tag) =	ssettag $0x0;
	lr =	simm.s32 $0x1  }
0x2: {  	[smem:$0x3F92] =	sst lr;
	_ =	strace $0xD0000000  }
0x3: {  	_ = 	snop  }
0x4: {  	_ = 	snop  }
0x5: {  	_ = 	snop  }
0x6: {  	_ = 	snop  }
0x7: {  	_ = 	snop  }
__scs_overlays_trampoline_lowered:
0x8: {  	[smem:$0x3FA1] =	sst s0  }
0x9: {  	[smem:$0x3FA2] =	sst s1  }
0xa: {  	[smem:$0x3FA3] =	sst s2  }
0xb: {  	[smem:$0x3FA4] =	sst s3  }
0xc: {  	[smem:$0x3FA5] =	sst s4  }
0xd: {  	[smem:$0x3FA6] =	sst s5  }
0xe: {  	[smem:$0x3FA7] =	sst s6  }
0xf: {  	[smem:$0x3FA8] =	sst s7  }
0x10: {  	[smem:$0x3FA9] =	sst s8  }
0x11: {  	[smem:$0x3FAA] =	sst s9;
	s0 =	simm.s32 @!p0 $0x0  }
0x12: {  	s1 =	sld [smem:$0x3F90];
	s0 =	simm.s32 @p0 $0x1  }
0x13: {  	[smem:$0x3FAB] =	sst s0;
	s0 =	simm.s32 @!p1 $0x0  }
0x14: {  	s2 =	sld [smem:$0x3F8F];
	s0 =	simm.s32 @p1 $0x1  }
0x15: {  	[smem:$0x3FAC] =	sst s0;
	s0 =	simm.s32 @!p2 $0x0  }
0x16: {  	s3 =	sld [smem:$0x3FDB];
	s0 =	simm.s32 @p2 $0x1  }
0x17: {  	s4 =	simm.s32 $0x1BF5;
	[smem:$0x3FAE] =	sst s0  }
0x18: {  	s0 =	sld [smem:$0x3F91];
	_ =	swait.ge [sflag:s4], $0x0  }
0x19: {  	s7 =	sld [smem:$0x3F92]  }
0x1a: {  	s8 =	sadd.s32 $0xFFFFE003, lr  }
0x1b: {  	s9 =	sadd.s32 $0xFFFFFEF7, lr;
	s5 =	simm.s32 $0xFFFFFFFF;
	p2 =	slt.u32 s8, $0xFFFFF086  }
0x1c: {  	p1 =	slt.u32 s9, $0xF7A;
	s5 =	simm.s32 @!p2 $0x0  }
0x1d: {  	s5 =	simm.s32 @p1 $0x1;
	p0 =	seq.s32 s7, s2  }
0x1e: {  	s7 =	smul.u32 @!p0 $0xF7A, s2;
	p2 =	seq.s32 @!p0 s5, $0x0  }
0x1f: {  	s9 =	smul.u32 $0xF7A, s1;
	s8 =	simm.s32 @!p0 $0x1BF5;
	p2 =	por !p2, p0  }
0x20: {  	[sflag:s8] =	ssyncset.s32 @!p0 $0xFFFFF086;
	s6 =	sadd.s32 @!p0 s3, s7;
	s7 =	simm.s32 @!p0 $0x108  }
0x21: {  	s3 =	sadd.s32 s3, s9;
	s6 =	sadd.s32 @!p0 $0x88, s6;
	s7 =	simm.s32 @p2 $0x1082  }
0x22: {  	[simem:s7], [sflag:s8] =	dma.local @!p0 [hbm:s6], $0xF7A  }
0x23: {  	s9 =	sor.u32 $0xD0000000, s2;
	s6 =	simm.s32 $0x108;
	_ =	swait.ge @!p0 [sflag:s8], $0x0  }
0x24: {  	s3 =	sadd.s32 $0x88, s3;
	s6 =	simm.s32 @!p1 $0x1082;
	[sflag:s4] =	ssyncset.s32 $0xFFFFF086  }
0x25: {  	[simem:s6], [sflag:s4] =	dma.local [hbm:s3], $0xF7A  }
0x26: {  	[smem:$0x3F92] =	sst s1;
	(tag) =	ssettag s2;
	_ =	strace s9  }
0x27: {  	s1 =	sld [smem:$0x3FA2]  }
0x28: {  	s2 =	sld [smem:$0x3FA3]  }
0x29: {  	s4 =	sld [smem:$0x3FA5]  }
0x2a: {  	p0 =	seq.s32 s5, $0x0;
	s5 =	sld [smem:$0x3FA6]  }
0x2b: {  	s6 =	sld [smem:$0x3FA7]  }
0x2c: {  	s7 =	sld [smem:$0x3FA8]  }
0x2d: {  	s3 =	simm.s32 $0x108;
	s8 =	sld [smem:$0x3FA9]  }
0x2e: {  	s3 =	simm.s32 @!p0 $0x1082;
	s9 =	sld [smem:$0x3FAA]  }
0x2f: {  	lr =	sadd.s32 s0, s3;
	s0 =	sld [smem:$0x3FA1]  }
0x30: {  	s3 =	sld [smem:$0x3FA4]  }
0x31: {  	[smem:$0x3FAD] =	sst s10  }
0x32: {  	s10 =	sld [smem:$0x3FAB];
	_ =	sdelay $0x3  }
0x33: {  	p0 =	seq.s32 s10, $0x1;
	s10 =	sld [smem:$0x3FAD];
	_ =	sdelay $0x3  }
0x34: {  	[smem:$0x3FAD] =	sst s10  }
0x35: {  	s10 =	sld [smem:$0x3FAC];
	_ =	sdelay $0x3  }
0x36: {  	p1 =	seq.s32 s10, $0x1;
	s10 =	sld [smem:$0x3FAD];
	_ =	sdelay $0x3  }
0x37: {  	[smem:$0x3FAD] =	sst s10  }
0x38: {  	s10 =	sld [smem:$0x3FAE]  }
0x39: {  	_ = 	snop;
	(pc) =	sbr.ind lr, $3  }
0x3a: {  	_ = 	snop  }
0x3b: {  	_ = 	snop  }
0x3c: {  	p2 =	seq.s32 s10, $0x1;
	s10 =	sld [smem:$0x3FAD]  }
0x3d: {  	_ =	shalt  }
0x3e: {  	_ =	shalt  }
0x3f: {  	_ =	shalt  }
0x40: {  	_ =	shalt  }
0x41: {  	_ =	shalt  }
0x42: {  	_ =	shalt  }
0x43: {  	_ =	shalt  }
0x44: {  	_ =	shalt  }
0x45: {  	_ =	shalt  }
0x46: {  	_ =	shalt  }
0x47: {  	_ =	shalt  }
0x48: {  	_ =	shalt  }
0x49: {  	_ =	shalt  }
0x4a: {  	_ =	shalt  }
0x4b: {  	_ =	shalt  }
0x4c: {  	_ =	shalt  }
0x4d: {  	_ =	shalt  }
0x4e: {  	_ =	shalt  }
0x4f: {  	_ =	shalt  }
0x50: {  	_ =	shalt  }
0x51: {  	_ =	shalt  }
0x52: {  	_ =	shalt  }
0x53: {  	_ =	shalt  }
0x54: {  	_ =	shalt  }
0x55: {  	_ =	shalt  }
0x56: {  	_ =	shalt  }
0x57: {  	_ =	shalt  }
0x58: {  	_ =	shalt  }
0x59: {  	_ =	shalt  }
0x5a: {  	_ =	shalt  }
0x5b: {  	_ =	shalt  }
0x5c: {  	_ =	shalt  }
0x5d: {  	_ =	shalt  }
0x5e: {  	_ =	shalt  }
0x5f: {  	_ =	shalt  }
0x60: {  	_ =	shalt  }
0x61: {  	_ =	shalt  }
0x62: {  	_ =	shalt  }
0x63: {  	_ =	shalt  }
0x64: {  	_ =	shalt  }
0x65: {  	_ =	shalt  }
0x66: {  	_ =	shalt  }
0x67: {  	_ =	shalt  }
0x68: {  	_ =	shalt  }
0x69: {  	_ =	shalt  }
0x6a: {  	_ =	shalt  }
0x6b: {  	_ =	shalt  }
0x6c: {  	_ =	shalt  }
0x6d: {  	_ =	shalt  }
0x6e: {  	_ =	shalt  }
0x6f: {  	_ =	shalt  }
0x70: {  	_ =	shalt  }
0x71: {  	_ =	shalt  }
0x72: {  	_ =	shalt  }
0x73: {  	_ =	shalt  }
0x74: {  	_ =	shalt  }
0x75: {  	_ =	shalt  }
0x76: {  	_ =	shalt  }
0x77: {  	_ =	shalt  }
0x78: {  	_ =	shalt  }
0x79: {  	_ =	shalt  }
0x7a: {  	_ =	shalt  }
0x7b: {  	_ =	shalt  }
0x7c: {  	_ =	shalt  }
0x7d: {  	_ =	shalt  }
0x7e: {  	_ =	shalt  }
0x7f: {  	_ =	shalt  }
0x80: {  	_ =	shalt  }
0x81: {  	_ =	shalt  }
0x82: {  	_ =	shalt  }
0x83: {  	_ =	shalt  }
0x84: {  	_ =	shalt  }
0x85: {  	_ =	shalt  }
0x86: {  	_ =	shalt  }
0x87: {  	_ =	shalt  }
.Lfunc_end0:
.L_simem_size_0:
called_computation_lowered:
.L_overlay_start_0:
0x88: {  	s2 =	sld [smem:$0x3FD9]  }
0x89: {  	s3 =	sld [smem:$0x3FFE];
	_ =	sdelay $0x1  }
0x8a: {  	s1 =	srdreg.scid  }
0x8b: {  	s0 =	sand.u32 $0x1, s1  }
0x8c: {  	s16 =	sshll.u32 s0, $0xA;
	s2 =	sadd.s32 s3, s2  }
0x8d: {  	s2 =	sadd.s32 s2, s16  }
0x8e: {  	[smem:$0x3FB9] =	sst s2  }
0x8f: {  	_ = 	snop  }
0x90: {  	(tm) =	ssettm $0x1  }
0x91: {  	s17 =	sld [smem:$0x3FFB];
	_ =	sdelay $0x3  }
0x92: {  	_ =	strace s17  }
0x93: {  	s2 =	sld [smem:$0x3FFC];
	_ =	sdelay $0x3  }
0x94: {  	_ =	strace s2  }
0x95: {  	s2 =	sld [smem:$0x3FFD];
	_ =	sdelay $0x3  }
0x96: {  	_ =	strace s2  }
0x97: {  	_ =	strace $0x8FFFFFFF  }
0x98: {  	s18 =	sld [smem:$0x3FDB];
	_ =	sdelay $0x1  }
0x99: {  	s19 =	simm.s32 $_scs_section_size  }
0x9a: {  	s4 =	simm.s32 $_size__tile_overlayer_lowered;
	s5 =	simm.s32 $_tile_overlayer_lowered  }
0x9b: {  	s22 =	simm.s32 $0x1BFF;
	s21 =	sshll.u32 s5, $0x1;
	s2 =	sadd.s32 s19, s18  }
0x9c: {  	s6 =	simm.s32 $0x0;
	s20 =	sshll.u32 s4, $0x1;
	s4 =	sadd.s32 s21, s2  }
0x9d: {  	[timem:s6], [sflag:s22] =	dma.local [hbm:s4], s20  }
0x9e: {  	_ =	swait.ge [sflag:s22], s20  }
0x9f: {  	s3 =	ssub.s32 $0x0, s20;
	[sflag:s22] =	ssyncset.done $0x0  }
0xa0: {  	[sflag:s22] =	ssyncadd.s32 s3;
	_ =	sdelay $0x1  }
0xa1: {  	s23 =	simm.s32 $0x1B8B  }
0xa2: {  	_ =	swait.ge [sflag:s23], $0x1  }
0xa3: {  	[sflag:s23] =	ssyncset.done $0x0  }
0xa4: {  	s25 =	simm.s32 $0x1B8E;
	s24 =	sld [smem:$0x3FFE];
	[sflag:s23] =	ssyncadd.s32 $0xFFFFFFFF  }
0xa5: {  	s26 =	simm.s32 $execute0_lowered;
	[smem:$0x3FD2] =	sst s25  }
0xa6: {  	s4 =	sshll.u32 s26, $0x1;
	_ =	strace $0x80000046;
	[dreg:$0x1] =	wrdreg $0xFFFFFFFF  }
0xa7: {  	s28 =	simm.s32 $_size_execute0_lowered;
	s2 =	sadd.s32 s2, s4;
	[dreg:$0x0] =	wrdreg $0x0  }
0xa8: {  	s4 =	sshll.u32 s28, $0x1;
	[dreg:$0x2] =	wrdreg s2  }
0xa9: {  	[dreg:$0x3] =	wrdreg s4  }
0xaa: {  	[dreg:$0x4] =	wrdreg $0xC0  }
0xab: {  	_ =	task [dreg:s6], $0x5FFFF  }
0xac: {  	[dreg:$0x1] =	wrdreg $0xFFFFFFFF  }
0xad: {  	[dreg:$0x0] =	wrdreg $0x60  }
0xae: {  	[dreg:$0x2] =	wrdreg s24  }
0xaf: {  	[dreg:$0x3] =	wrdreg $0x9  }
0xb0: {  	_ =	task.clear_ibuf [dreg:s6], $0x4FFFF;
	_ =	strace $0x90000046  }
0xb1: {  	s29 =	simm.s32 $0x9;
	_ =	strace $0x80000048  }
0xb2: {  	_ =	swait.ge [sflag:s29], $0x1  }
0xb3: {  	[sflag:s29] =	ssyncadd.s32 $0xFFFFFFFF  }
0xb4: {  	_ =	strace $0x90000048  }
0xb5: {  	_ =	sfence  }
0xb6: {  	s30 =	sld [smem:$0x0];
	_ =	sdelay $0x2  }
0xb7: {  	s31 =	sshll.u32 s1, $0xD;
	s1 =	sshrl.u32 s1, $0x2  }
0xb8: {  	s3 =	sand.u32 $0x4000, s31;
	s1 =	sadd.s32 s1, s30  }
0xb9: {  	s0 =	sor.u32 s3, s0;
	s1 =	sshll.u32 s1, $0x11  }
0xba: {  	s0 =	sor.u32 s1, s0  }
0xbb: {  	s0 =	sadd.s32 $0x8F2B, s0  }
0xbc: {  	[sflag:s0] =	ssyncadd.remote.s32 $0x1  }
0xbd: {  	_ =	sfence.sel $0xFFFF  }
0xbe: {  	[dreg:$0x0] =	wrdreg $0xFFFFFFFF;
	(pc) =	sbr.abs _section_cstart, $3  }
0xbf: {  	[dreg:$0x1] =	wrdreg $0xFFFFFFFF  }
0xc0: {  	_ =	task.clear_ibuf [dreg:s6], $0x2FFFF;
	_ =	strace $0x9FFFFFFF  }
0xc1: {  	(tm) =	ssettm $0x7FFFFFFF  }
tec
execute0_lowered:
.L_overlay_start_1:
0x0: {  	(tag) =	ssettag $0x1  }
0x1: {  	s2 =	rddreg [dreg:$0x0]  }
0x2: {  	s0 =	rddreg [dreg:$0x1]  }
0x3: {  	s1 =	srdreg.scid;
	_ =	strace $0x80000047;
	s4 =	simm.s32 $0x1  }
0x4: {  	s9 =	simm.s32 $0x3;
	s11 =	simm.s32 $0x0;
	s5 =	sshll.u32 s1, $0x4  }
.Ltmp0:
0x5: {  	s1 =	stileid.u32;
	s5 =	sand.u32 $0x10, s5;
	(pc) =	sbr.rel .LBB2_1-.Ltmp0, $4  }
0x6: {  	p0 =	por $0x0, $0x0;
	s3 =	sadd.s32 $0x649000, s2;
	s6 =	sor.u32 s1, s5  }
0x7: {  	[sflag:s4] =	ssyncpa.u1 $0x0;
	s5 =	simm.s32 $0x2;
	s6 =	sshll.u32 s6, $0x6  }
0x8: {  	s7 =	sadd.s32 $0x40A00, s2;
	[sflag:s5] =	ssyncpa.u1 $0x0;
	s8 =	sadd.s32 $0x40, s6  }
0x9: {  	vm0 =	vmmov $0xff;
	vm1 =	vcmask $0x3F20;
	[sflag:s9] =	ssyncpa.u1 $0x0;
	s10 =	smov.u32 s6;
	s9 =	simm.s32 $0x0  }
.LBB2_9:
0xa: {  	p1 =	slt.u32 s9, $0x2;
	s11 =	sadd.s32 $0x20, s10  }
0xb: {  	s13 =	smov.u32 s6;
	s9 =	sadd.s32 $0x1, s9;
	p2 =	slt.s32 s11, s8  }
0xc: {  	s13 =	smov.u32 @p2 s11;
	p2 =	sne.s32 s9, $0x4  }
.Ltmp1:
0xd: {  	_ = 	snop;
	(pc) =	sbr.rel @!p2 .LBB2_10-.Ltmp1, $4  }
0xe: {  	s12 =	simm.s32 @!p1 $0x3  }
0xf: {  	_ =	swait.ge @!p1 [sflag:s12], $0x8000  }
0x10: {  	p0 =	por !p0, !p0;
	[sflag:s12] =	ssyncset.done @!p1 $0x0  }
0x11: {  	s11 =	smov.u32 s10;
	s10 =	smov.u32 s13;
	[sflag:s12] =	ssyncadd.s32 @!p1 $0xFFFF8000  }
.LBB2_1:
0x12: {  	p1 =	sgt.u32 s9, $0x1  }
0x13: {  	s12 =	sshll.u32 @!p1 s9, $0x5;
	s13 =	sshrl.u32 @!p1 s10, $0x3  }
0x14: {  	s14 =	sand.u32 @!p1 $0x7, s10;
	s12 =	sxor.u32 @!p1 $0x20, s12;
	s13 =	sadd.s32 @!p1 s7, s13  }
0x15: {  	[tilespmem:s12], [sflag:$0x2] =	stream.linear.gather @!p1 [hbm4b:s13+s14], $0x20, $0x38;
	[tilespmem:$0x10040] =	vst v63  }
0x16: {  	p1 =	seq.s32 s9, $0x0  }
0x17: {  	p2 =	seq.s32 @!p1 s9, $0x3  }
0x18: {  	p1 =	por p1, p2  }
.Ltmp2:
0x19: {  	_ = 	snop;
	(pc) =	sbr.rel @p1 .LBB2_9-.Ltmp2, $1  }
0x1a: {  	_ =	sdelay $0x3  }
0x1b: {  	s12 =	simm.s32 $0x1  }
0x1c: {  	_ =	swait.ge [sflag:s5], $0x20;
	s13 =	sand.u32 $0x1, s9;
	s12 =	simm.s32 @!p0 $0x0  }
0x1d: {  	s15 =	simm.s32 $0x0;
	p2 =	por $0x1, $0x1;
	s12 =	sshll.u32 s12, $0x11  }
0x1e: {  	[sflag:s5] =	ssyncset.done $0x0;
	s13 =	sshll.u32 s13, $0x5;
	s14 =	sshrl.u32 s12, $0x2  }
0x1f: {  	[sflag:s5] =	ssyncadd.s32 $0xFFFFFFE0;
	s12 =	sor.u32 $0x40, s14;
	s14 =	sadd.s32 $0x40, s14  }
.LBB2_3:
0x20: {  	s16 =	sshll.u32 s15, $0x4  }
0x21: {  	s16 =	sand.u32 $0x3FFFFFF0, s16  }
0x22: {  	s16 =	sadd.s32 s16, s13  }
0x23: {  	v0 =	vld.msk [tilespmem:s16+$0x0 ss:$0x1], $0xffff;
	_ =	sdelay $0x4  }
0x24: {  	vm2 =	vgt.s32 v0, $0x0  }
0x25: {  	v0 =	vnsel vm2, $0x0, v0  }
0x26: {  	v0 =	vmin.u32 v0, $0x17FF  }
0x27: {  	v1 =	vshll.u32 v0, $0x7;
	v0 =	vshll.u32 v0, $0x4  }
0x28: {  	v1 =	vand.u32 $0xFFC00, v1;
	v0 =	vand.u32 $0x70, v0  }
0x29: {  	v0 =	vor.u32 v0, v1  }
0x2a: {  	s31 =	sshll.u32 s15, $0x10  }
0x2b: {  	s15 =	sshra.s32 s31, $0x2  }
0x2c: {  	s15 =	sadd.s32 s15, s14  }
0x2d: {  	s17 =	sadd.s32 $0x0, s15  }
0x2e: {  	[tilespmem:s17], [sflag:$0x1] =	stream.indirect_vreg.gather [hbm:s3], $0x80, v0, vm0, $0x38;
	[tilespmem:$0x10040] =	vst v63  }
0x2f: {  	p1 =	por p2, p2;
	s16 =	simm.s32 $0x1000;
	v1 =	vadd.s32 $0x80, v0;
	s17 =	sadd.s32 $0x2000, s17  }
.LBB2_4:
0x30: {  	[tilespmem:s17], [sflag:$0x1] =	stream.indirect_vreg.gather [hbm:s3], $0x80, v0, vm1, $0x38;
	[tilespmem:$0x10040] =	vst v63  }
0x31: {  	v0 =	vmov v1;
	s17 =	smov.u32 s16;
	p2 =	sne.s32 s16, $0x7000  }
.Ltmp3:
0x32: {  	s16 =	sadd.s32 $0x1000, s16;
	(pc) =	sbr.rel @p2 .LBB2_4-.Ltmp3, $4  }
0x33: {  	s17 =	sshra.s32 s17, $0x2  }
0x34: {  	s17 =	sadd.s32 s17, s15  }
0x35: {  	[tilespmem:s17], [sflag:$0x1] =	stream.indirect_vreg.gather [hbm:s3], $0x80, v1, vm0, $0x38;
	[tilespmem:$0x10040] =	vst v63  }
0x36: {  	s17 =	sadd.s32 $0x2000, s17;
	v1 =	vadd.s32 $0x80, v1  }
0x37: {  	_ = 	snop  }
.Ltmp4:
0x38: {  	_ = 	snop;
	(pc) =	sbr.rel @p1 .LBB2_3-.Ltmp4, $3  }
0x39: {  	_ =	sdelay $0x1  }
0x3a: {  	[tilespmem:s17], [sflag:$0x1] =	stream.indirect_vreg.gather [hbm:s3], $0x80, v0, vm1, $0x38;
	[tilespmem:$0x10040] =	vst v63  }
0x3b: {  	s15 =	simm.s32 $0x1;
	p2 =	por $0x0, $0x0  }
0x3c: {  	s13 =	sshll.u32 s11, $0x7  }
0x3d: {  	s31 =	sshll.u32 s11, $0x4;
	s13 =	sand.u32 $0xFFFFFC00, s13  }
0x3e: {  	_ =	swait.ge [sflag:s4], $0x8000;
	s11 =	sand.u32 $0x70, s31;
	s13 =	sadd.s32 s13, s2  }
0x3f: {  	s14 =	sadd.s32 $0x2000, s12;
	[sflag:s4] =	ssyncset.done $0x0;
	s11 =	sadd.s32 s11, s13  }
0x40: {  	[sflag:s4] =	ssyncadd.s32 $0xFFFF8000;
	s13 =	simm.s32 $0x400;
	s15 =	sadd.s32 $0x0, s11  }
.LBB2_7:
0x41: {  	[hbm:s15] =	stream.linear.scatter [tilespmem:s12], [sflag:$0x3], $0x2000, $0x38;
	[tilespmem:$0x10040] =	vst v63  }
0x42: {  	s15 =	smov.u32 s13;
	s12 =	smov.u32 s14;
	p1 =	sne.s32 s13, $0xC00  }
.Ltmp5:
0x43: {  	s13 =	sadd.s32 $0x400, s13;
	(pc) =	sbr.rel @p1 .LBB2_7-.Ltmp5, $2  }
0x44: {  	_ =	sdelay $0x2  }
0x45: {  	s14 =	sadd.s32 $0x2000, s14;
	s15 =	sadd.s32 s15, s11  }
.Ltmp6:
0x46: {  	(pc) =	sbr.rel .LBB2_9-.Ltmp6, $2  }
0x47: {  	_ =	sdelay $0x2  }
0x48: {  	[hbm:s15] =	stream.linear.scatter [tilespmem:s12], [sflag:$0x3], $0x2000, $0x38;
	[tilespmem:$0x10040] =	vst v63  }
.LBB2_10:
0x49: {  	_ =	sfence.sel $0x180000  }
0x4a: {  	s2 =	simm.s32 $0x2;
	[bflag:$0x0] =	sbarrier.arrive $0xFFFF  }
0x4b: {  	s30 =	simm.s32 $0x3;
	[sflag:s2] =	ssyncpa.u1 $0x1  }
0x4c: {  	s31 =	simm.s32 $0x1;
	[sflag:s30] =	ssyncpa.u1 $0x1  }
0x4d: {  	[sflag:s31] =	ssyncpa.u1 $0x1  }
0x4e: {  	p0 =	sne.s32 s1, $0x0;
	_ =	strace $0x90000047  }
0x4f: {  	s0 =	sadd.s32 @!p0 $0x100000, s0;
	[bflag:$0x2] =	sbarrier.arrive $0xFFFF  }
0x50: {  	[sflag:s0] =	ssyncadd.tile.s32 @!p0 $0x1;
	_ =	shalt  }
.Lfunc_end2:
_tile_overlayer_lowered:
.L_overlay_start_2:
0x51: {  	(tag) =	ssettag $0x2  }
0x52: {  	s0 =	rddreg [dreg:$0x0];
	s2 =	stileid.u32  }
0x53: {  	s1 =	rddreg [dreg:$0x1];
	p0 =	sne.s32 s2, $0x0  }
0x54: {  	s3 =	rddreg [dreg:$0x2];
	[bflag:$0x3] =	sbarrier.arrive $0xFFFF;
	s2 =	simm.s32 @!p0 $0x1C01  }
0x55: {  	[timem:s3], [sflag:s2] =	dma.local @!p0 [hbm:s0], s1  }
0x56: {  	s0 =	simm.s32 @!p0 $0x1  }
0x57: {  	_ =	swait.ge @!p0 [sflag:s0], s1  }
0x58: {  	s1 =	ssub.s32 @!p0 $0x0, s1;
	[sflag:s0] =	ssyncset.done @!p0 $0x0  }
0x59: {  	[sflag:s0] =	ssyncadd.s32 @!p0 s1  }
0x5a: {  	[bflag:$0x3] =	sbarrier.arrive $0xFFFF  }
0x5b: {  	_ =	shalt  }

</sc_bundles>
